<compile_context>
chip_gen: v7x
topology: tpu7x:2x2x1
jax: 0.10.2.dev20260603
libtpu: 0.0.44.dev20260713+nightly
codegen_flags: <defaults>
</compile_context>

<pallas_src>
import functools

import jax
import jax.numpy as jnp
from jax import lax
from jax.experimental import pallas as pl
from jax.experimental.pallas import tpu as pltpu
from jax.experimental.pallas import tpu_sc as plsc

_D = 128
_BATCH = 16384
_HIST = 50
_NC, _NS = 2, 16
_NW = _NC * _NS
_BPW = _BATCH // _NW
_G = 4
_CHUNKS = _BPW // _G
_NBUF = 2
_MAIN = -(-(_CHUNKS - _NBUF) // _NBUF) * _NBUF

_mesh = plsc.VectorSubcoreMesh(core_axis_name="c", subcore_axis_name="s")


@functools.partial(
    pl.kernel,
    out_type=jax.ShapeDtypeStruct((_BATCH, _HIST, _D), jnp.float32),
    mesh=_mesh,
    scratch_types=[
        pltpu.VMEM((_BPW, _HIST), jnp.int32),
        pltpu.VMEM((_NBUF, _G, _HIST, _D), jnp.float32),
        pltpu.SemaphoreType.DMA,
        pltpu.SemaphoreType.DMA,
    ],
)
def _emb(x_hbm, w_hbm, out_hbm, idx_v, rows_v, sem0, sem1):
    wid = lax.axis_index("s") * _NC + lax.axis_index("c")
    base = wid * _BPW
    sems = (sem0, sem1)
    pltpu.sync_copy(x_hbm.at[pl.ds(base, _BPW)], idx_v)

    def _fire(c, buf):
        r0 = c * _G
        for j in range(_G):
            pltpu.async_copy(
                w_hbm.at[idx_v.at[r0 + j]],
                rows_v.at[buf].at[j],
                sems[buf],
            )

    def _drain_store(c, b):
        pltpu.make_async_copy(
            out_hbm.at[pl.ds(0, _G)], rows_v.at[b], sems[b]
        ).wait()
        pltpu.sync_copy(
            rows_v.at[b],
            out_hbm.at[pl.ds(base + c * _G, _G)],
        )

    for b in range(_NBUF):
        _fire(b, b)

    @pl.loop(0, _MAIN, step=_NBUF)
    def _outer(cc):
        for b in range(_NBUF):
            c = cc + b
            _drain_store(c, b)

            @pl.when(c + _NBUF < _CHUNKS)
            def _():
                _fire(c + _NBUF, b)

    for c in range(_MAIN, _CHUNKS):
        _drain_store(c, c % _NBUF)


def kernel(x, weight):
    return _emb(x.astype(jnp.int32), weight)

# --- scband reference (transcript-rebuilt; emitter-appended) ---
"""Pipeline reference for scband-tiny-embedding-20744692040490 (READ-ONLY COPY).

The authoritative reference and input builder live on the scoring server;
editing this copy changes nothing except your own understanding.
"""

import jax, jax.numpy as jnp
import numpy as np

NUM_EMBEDDINGS = 100000
EMBED_DIM = 128
BATCH = 16384
HIST = 50

def setup_inputs(seed: int = 0) -> dict:
    key = jax.random.key(seed)
    k_w, k_x = jax.random.split(key)
    weight = jax.random.normal(k_w, (NUM_EMBEDDINGS, EMBED_DIM), dtype=jnp.float32)
    x = jax.random.randint(k_x, (BATCH, HIST), 0, NUM_EMBEDDINGS, dtype=jnp.int64)
    return {"x": x, "weight": weight}

def reference(x, weight):
    # Faithful embedding lookup: out[b, t, :] = weight[x[b, t], :]
    return jnp.take(weight, x, axis=0)

if __name__ == "__main__":
    import jax
    _d = setup_inputs()
    print(jax.jit(kernel)(*tuple(_d.values())))

</pallas_src>

<mosaic_0001>
#map = affine_map<(d0, d1) -> (0, 0)>
#map1 = affine_map<(d0, d1) -> (0, 0, 0)>
module attributes {stable_mosaic.version = 14 : i64} {
  func.func @_emb(%arg0: i32, %arg1: i32, %arg2: memref<16384x50xi32, #tpu.memory_space<hbm>>, %arg3: memref<100000x128xf32, #tpu.memory_space<hbm>>, %arg4: memref<16384x50x128xf32, #tpu.memory_space<hbm>>, %arg5: memref<512x50xi32, #tpu.memory_space<vmem>>, %arg6: memref<2x4x50x128xf32, #tpu.memory_space<vmem>>, %arg7: memref<!tpu.dma_semaphore, #tpu.memory_space<semaphore_mem>>, %arg8: memref<!tpu.dma_semaphore, #tpu.memory_space<semaphore_mem>>) attributes {dimension_semantics = [#tpu.dimension_semantics<core_parallel>, #tpu.dimension_semantics<subcore_parallel>], iteration_bounds = array<i64: 2, 16>, scalar_prefetch = 0 : i64, scratch_operands = 4 : i64, tpu.core_type = #tpu.core_type<sc_vector_subcore>, window_params = [{transform_indices = #map}, {transform_indices = #map}, {transform_indices = #map1}]} {
    %mul3A = arith.constant 2 : i32
    %mul3A_0 = arith.muli %arg1, %mul3A : i32
    %add3A = arith.addi %mul3A_0, %arg0 : i32
    %mul3A_1 = arith.constant 512 : i32
    %mul3A_2 = arith.muli %add3A, %mul3A_1 : i32
    "tpu.region"() ({
      %run_scoped3A_192 = tpu.sem_alloc : memref<!tpu.dma_semaphore, #tpu.memory_space<semaphore_mem>>
      %dma_start3A_193 = arith.constant 0 : i32
      %dma_start3A_194 = tpu.memref_slice %arg2[%mul3A_2, %dma_start3A_193] : memref<16384x50xi32, #tpu.memory_space<hbm>> -> memref<512x50xi32, #tpu.memory_space<hbm>>
      %dma_start3A_195 = arith.constant 0 : i32
      %dma_start3A_196 = tpu.memref_slice %arg2[%mul3A_2, %dma_start3A_195] : memref<16384x50xi32, #tpu.memory_space<hbm>> -> memref<512x50xi32, #tpu.memory_space<hbm>>
      tpu.enqueue_dma source(%dma_start3A_196 : memref<512x50xi32, #tpu.memory_space<hbm>>) target(%arg5 : memref<512x50xi32, #tpu.memory_space<vmem>>) target_semaphore(%run_scoped3A_192 : memref<!tpu.dma_semaphore, #tpu.memory_space<semaphore_mem>>)
      %dma_wait3A_197 = arith.constant 0 : i32
      %dma_wait3A_198 = tpu.memref_slice %arg2[%mul3A_2, %dma_wait3A_197] : memref<16384x50xi32, #tpu.memory_space<hbm>> -> memref<512x50xi32, #tpu.memory_space<hbm>>
      %dma_wait3A_199 = arith.constant 0 : i32
      %dma_wait3A_200 = tpu.memref_slice %arg2[%mul3A_2, %dma_wait3A_199] : memref<16384x50xi32, #tpu.memory_space<hbm>> -> memref<512x50xi32, #tpu.memory_space<hbm>>
      tpu.wait_dma2 semaphore(%run_scoped3A_192 : memref<!tpu.dma_semaphore, #tpu.memory_space<semaphore_mem>>) src(%dma_wait3A_200 : memref<512x50xi32, #tpu.memory_space<hbm>>) dst(%arg5 : memref<512x50xi32, #tpu.memory_space<vmem>>)
      tpu.yield
    }) : () -> ()
    %dma_start3A = arith.constant 0 : i32
    %dma_start3A_3 = arith.constant 0 : i32
    %dma_start3A_4 = arith.constant 0 : i32
    %dma_start3A_5 = arith.constant 0 : i32
    %dma_start3A_6 = arith.constant 0 : i32
    %dma_start3A_7 = arith.constant 0 : i32
    %dma_start3A_8 = tpu.memref_slice %arg6[%dma_start3A_3, %dma_start3A_5, %dma_start3A_6, %dma_start3A_7] : memref<2x4x50x128xf32, #tpu.memory_space<vmem>> -> memref<1x4x50x128xf32, #tpu.memory_space<vmem>>
    %dma_start3A_9 = tpu.memref_squeeze %dma_start3A_8 : memref<1x4x50x128xf32, #tpu.memory_space<vmem>> -> memref<4x50x128xf32, #tpu.memory_space<vmem>>
    %dma_start3A_10 = arith.constant 0 : i32
    %dma_start3A_11 = arith.constant 0 : i32
    %dma_start3A_12 = tpu.memref_slice %dma_start3A_9[%dma_start3A_4, %dma_start3A_10, %dma_start3A_11] : memref<4x50x128xf32, #tpu.memory_space<vmem>> -> memref<1x50x128xf32, #tpu.memory_space<vmem>>
    %dma_start3A_13 = tpu.memref_squeeze %dma_start3A_12 : memref<1x50x128xf32, #tpu.memory_space<vmem>> -> memref<50x128xf32, #tpu.memory_space<vmem>>
    %dma_start3A_14 = arith.constant 0 : i32
    %dma_start3A_15 = tpu.memref_slice %arg5[%dma_start3A, %dma_start3A_14] : memref<512x50xi32, #tpu.memory_space<vmem>> -> memref<1x50xi32, #tpu.memory_space<vmem>>
    %dma_start3A_16 = tpu.memref_squeeze %dma_start3A_15 : memref<1x50xi32, #tpu.memory_space<vmem>> -> memref<50xi32, #tpu.memory_space<vmem>>
    %dma_start3A_17 = arith.constant 0 : i32
    %dma_start3A_18 = arith.constant 0 : i32
    %dma_start3A_19 = tpu.memref_slice %arg3[%dma_start3A_17, %dma_start3A_18] : memref<100000x128xf32, #tpu.memory_space<hbm>> -> memref<100000x128xf32, #tpu.memory_space<hbm>>
    tpu.enqueue_indirect_dma source(%dma_start3A_19 : memref<100000x128xf32, #tpu.memory_space<hbm>>) target(%dma_start3A_13 : memref<50x128xf32, #tpu.memory_space<vmem>>) offsets(%dma_start3A_16 : memref<50xi32, #tpu.memory_space<vmem>>) semaphore(%arg7 : memref<!tpu.dma_semaphore, #tpu.memory_space<semaphore_mem>>)
    %dma_start3A_20 = arith.constant 1 : i32
    %dma_start3A_21 = arith.constant 0 : i32
    %dma_start3A_22 = arith.constant 1 : i32
    %dma_start3A_23 = arith.constant 0 : i32
    %dma_start3A_24 = arith.constant 0 : i32
    %dma_start3A_25 = arith.constant 0 : i32
    %dma_start3A_26 = tpu.memref_slice %arg6[%dma_start3A_21, %dma_start3A_23, %dma_start3A_24, %dma_start3A_25] : memref<2x4x50x128xf32, #tpu.memory_space<vmem>> -> memref<1x4x50x128xf32, #tpu.memory_space<vmem>>
    %dma_start3A_27 = tpu.memref_squeeze %dma_start3A_26 : memref<1x4x50x128xf32, #tpu.memory_space<vmem>> -> memref<4x50x128xf32, #tpu.memory_space<vmem>>
    %dma_start3A_28 = arith.constant 0 : i32
    %dma_start3A_29 = arith.constant 0 : i32
    %dma_start3A_30 = tpu.memref_slice %dma_start3A_27[%dma_start3A_22, %dma_start3A_28, %dma_start3A_29] : memref<4x50x128xf32, #tpu.memory_space<vmem>> -> memref<1x50x128xf32, #tpu.memory_space<vmem>>
    %dma_start3A_31 = tpu.memref_squeeze %dma_start3A_30 : memref<1x50x128xf32, #tpu.memory_space<vmem>> -> memref<50x128xf32, #tpu.memory_space<vmem>>
    %dma_start3A_32 = arith.constant 0 : i32
    %dma_start3A_33 = tpu.memref_slice %arg5[%dma_start3A_20, %dma_start3A_32] : memref<512x50xi32, #tpu.memory_space<vmem>> -> memref<1x50xi32, #tpu.memory_space<vmem>>
    %dma_start3A_34 = tpu.memref_squeeze %dma_start3A_33 : memref<1x50xi32, #tpu.memory_space<vmem>> -> memref<50xi32, #tpu.memory_space<vmem>>
    %dma_start3A_35 = arith.constant 0 : i32
    %dma_start3A_36 = arith.constant 0 : i32
    %dma_start3A_37 = tpu.memref_slice %arg3[%dma_start3A_35, %dma_start3A_36] : memref<100000x128xf32, #tpu.memory_space<hbm>> -> memref<100000x128xf32, #tpu.memory_space<hbm>>
    tpu.enqueue_indirect_dma source(%dma_start3A_37 : memref<100000x128xf32, #tpu.memory_space<hbm>>) target(%dma_start3A_31 : memref<50x128xf32, #tpu.memory_space<vmem>>) offsets(%dma_start3A_34 : memref<50xi32, #tpu.memory_space<vmem>>) semaphore(%arg7 : memref<!tpu.dma_semaphore, #tpu.memory_space<semaphore_mem>>)
    %dma_start3A_38 = arith.constant 2 : i32
    %dma_start3A_39 = arith.constant 0 : i32
    %dma_start3A_40 = arith.constant 2 : i32
    %dma_start3A_41 = arith.constant 0 : i32
    %dma_start3A_42 = arith.constant 0 : i32
    %dma_start3A_43 = arith.constant 0 : i32
    %dma_start3A_44 = tpu.memref_slice %arg6[%dma_start3A_39, %dma_start3A_41, %dma_start3A_42, %dma_start3A_43] : memref<2x4x50x128xf32, #tpu.memory_space<vmem>> -> memref<1x4x50x128xf32, #tpu.memory_space<vmem>>
    %dma_start3A_45 = tpu.memref_squeeze %dma_start3A_44 : memref<1x4x50x128xf32, #tpu.memory_space<vmem>> -> memref<4x50x128xf32, #tpu.memory_space<vmem>>
    %dma_start3A_46 = arith.constant 0 : i32
    %dma_start3A_47 = arith.constant 0 : i32
    %dma_start3A_48 = tpu.memref_slice %dma_start3A_45[%dma_start3A_40, %dma_start3A_46, %dma_start3A_47] : memref<4x50x128xf32, #tpu.memory_space<vmem>> -> memref<1x50x128xf32, #tpu.memory_space<vmem>>
    %dma_start3A_49 = tpu.memref_squeeze %dma_start3A_48 : memref<1x50x128xf32, #tpu.memory_space<vmem>> -> memref<50x128xf32, #tpu.memory_space<vmem>>
    %dma_start3A_50 = arith.constant 0 : i32
    %dma_start3A_51 = tpu.memref_slice %arg5[%dma_start3A_38, %dma_start3A_50] : memref<512x50xi32, #tpu.memory_space<vmem>> -> memref<1x50xi32, #tpu.memory_space<vmem>>
    %dma_start3A_52 = tpu.memref_squeeze %dma_start3A_51 : memref<1x50xi32, #tpu.memory_space<vmem>> -> memref<50xi32, #tpu.memory_space<vmem>>
    %dma_start3A_53 = arith.constant 0 : i32
    %dma_start3A_54 = arith.constant 0 : i32
    %dma_start3A_55 = tpu.memref_slice %arg3[%dma_start3A_53, %dma_start3A_54] : memref<100000x128xf32, #tpu.memory_space<hbm>> -> memref<100000x128xf32, #tpu.memory_space<hbm>>
    tpu.enqueue_indirect_dma source(%dma_start3A_55 : memref<100000x128xf32, #tpu.memory_space<hbm>>) target(%dma_start3A_49 : memref<50x128xf32, #tpu.memory_space<vmem>>) offsets(%dma_start3A_52 : memref<50xi32, #tpu.memory_space<vmem>>) semaphore(%arg7 : memref<!tpu.dma_semaphore, #tpu.memory_space<semaphore_mem>>)
    %dma_start3A_56 = arith.constant 3 : i32
    %dma_start3A_57 = arith.constant 0 : i32
    %dma_start3A_58 = arith.constant 3 : i32
    %dma_start3A_59 = arith.constant 0 : i32
    %dma_start3A_60 = arith.constant 0 : i32
    %dma_start3A_61 = arith.constant 0 : i32
    %dma_start3A_62 = tpu.memref_slice %arg6[%dma_start3A_57, %dma_start3A_59, %dma_start3A_60, %dma_start3A_61] : memref<2x4x50x128xf32, #tpu.memory_space<vmem>> -> memref<1x4x50x128xf32, #tpu.memory_space<vmem>>
    %dma_start3A_63 = tpu.memref_squeeze %dma_start3A_62 : memref<1x4x50x128xf32, #tpu.memory_space<vmem>> -> memref<4x50x128xf32, #tpu.memory_space<vmem>>
    %dma_start3A_64 = arith.constant 0 : i32
    %dma_start3A_65 = arith.constant 0 : i32
    %dma_start3A_66 = tpu.memref_slice %dma_start3A_63[%dma_start3A_58, %dma_start3A_64, %dma_start3A_65] : memref<4x50x128xf32, #tpu.memory_space<vmem>> -> memref<1x50x128xf32, #tpu.memory_space<vmem>>
    %dma_start3A_67 = tpu.memref_squeeze %dma_start3A_66 : memref<1x50x128xf32, #tpu.memory_space<vmem>> -> memref<50x128xf32, #tpu.memory_space<vmem>>
    %dma_start3A_68 = arith.constant 0 : i32
    %dma_start3A_69 = tpu.memref_slice %arg5[%dma_start3A_56, %dma_start3A_68] : memref<512x50xi32, #tpu.memory_space<vmem>> -> memref<1x50xi32, #tpu.memory_space<vmem>>
    %dma_start3A_70 = tpu.memref_squeeze %dma_start3A_69 : memref<1x50xi32, #tpu.memory_space<vmem>> -> memref<50xi32, #tpu.memory_space<vmem>>
    %dma_start3A_71 = arith.constant 0 : i32
    %dma_start3A_72 = arith.constant 0 : i32
    %dma_start3A_73 = tpu.memref_slice %arg3[%dma_start3A_71, %dma_start3A_72] : memref<100000x128xf32, #tpu.memory_space<hbm>> -> memref<100000x128xf32, #tpu.memory_space<hbm>>
    tpu.enqueue_indirect_dma source(%dma_start3A_73 : memref<100000x128xf32, #tpu.memory_space<hbm>>) target(%dma_start3A_67 : memref<50x128xf32, #tpu.memory_space<vmem>>) offsets(%dma_start3A_70 : memref<50xi32, #tpu.memory_space<vmem>>) semaphore(%arg7 : memref<!tpu.dma_semaphore, #tpu.memory_space<semaphore_mem>>)
    %dma_start3A_74 = arith.constant 4 : i32
    %dma_start3A_75 = arith.constant 1 : i32
    %dma_start3A_76 = arith.constant 0 : i32
    %dma_start3A_77 = arith.constant 0 : i32
    %dma_start3A_78 = arith.constant 0 : i32
    %dma_start3A_79 = arith.constant 0 : i32
    %dma_start3A_80 = tpu.memref_slice %arg6[%dma_start3A_75, %dma_start3A_77, %dma_start3A_78, %dma_start3A_79] : memref<2x4x50x128xf32, #tpu.memory_space<vmem>> -> memref<1x4x50x128xf32, #tpu.memory_space<vmem>>
    %dma_start3A_81 = tpu.memref_squeeze %dma_start3A_80 : memref<1x4x50x128xf32, #tpu.memory_space<vmem>> -> memref<4x50x128xf32, #tpu.memory_space<vmem>>
    %dma_start3A_82 = arith.constant 0 : i32
    %dma_start3A_83 = arith.constant 0 : i32
    %dma_start3A_84 = tpu.memref_slice %dma_start3A_81[%dma_start3A_76, %dma_start3A_82, %dma_start3A_83] : memref<4x50x128xf32, #tpu.memory_space<vmem>> -> memref<1x50x128xf32, #tpu.memory_space<vmem>>
    %dma_start3A_85 = tpu.memref_squeeze %dma_start3A_84 : memref<1x50x128xf32, #tpu.memory_space<vmem>> -> memref<50x128xf32, #tpu.memory_space<vmem>>
    %dma_start3A_86 = arith.constant 0 : i32
    %dma_start3A_87 = tpu.memref_slice %arg5[%dma_start3A_74, %dma_start3A_86] : memref<512x50xi32, #tpu.memory_space<vmem>> -> memref<1x50xi32, #tpu.memory_space<vmem>>
    %dma_start3A_88 = tpu.memref_squeeze %dma_start3A_87 : memref<1x50xi32, #tpu.memory_space<vmem>> -> memref<50xi32, #tpu.memory_space<vmem>>
    %dma_start3A_89 = arith.constant 0 : i32
    %dma_start3A_90 = arith.constant 0 : i32
    %dma_start3A_91 = tpu.memref_slice %arg3[%dma_start3A_89, %dma_start3A_90] : memref<100000x128xf32, #tpu.memory_space<hbm>> -> memref<100000x128xf32, #tpu.memory_space<hbm>>
    tpu.enqueue_indirect_dma source(%dma_start3A_91 : memref<100000x128xf32, #tpu.memory_space<hbm>>) target(%dma_start3A_85 : memref<50x128xf32, #tpu.memory_space<vmem>>) offsets(%dma_start3A_88 : memref<50xi32, #tpu.memory_space<vmem>>) semaphore(%arg8 : memref<!tpu.dma_semaphore, #tpu.memory_space<semaphore_mem>>)
    %dma_start3A_92 = arith.constant 5 : i32
    %dma_start3A_93 = arith.constant 1 : i32
    %dma_start3A_94 = arith.constant 1 : i32
    %dma_start3A_95 = arith.constant 0 : i32
    %dma_start3A_96 = arith.constant 0 : i32
    %dma_start3A_97 = arith.constant 0 : i32
    %dma_start3A_98 = tpu.memref_slice %arg6[%dma_start3A_93, %dma_start3A_95, %dma_start3A_96, %dma_start3A_97] : memref<2x4x50x128xf32, #tpu.memory_space<vmem>> -> memref<1x4x50x128xf32, #tpu.memory_space<vmem>>
    %dma_start3A_99 = tpu.memref_squeeze %dma_start3A_98 : memref<1x4x50x128xf32, #tpu.memory_space<vmem>> -> memref<4x50x128xf32, #tpu.memory_space<vmem>>
    %dma_start3A_100 = arith.constant 0 : i32
    %dma_start3A_101 = arith.constant 0 : i32
    %dma_start3A_102 = tpu.memref_slice %dma_start3A_99[%dma_start3A_94, %dma_start3A_100, %dma_start3A_101] : memref<4x50x128xf32, #tpu.memory_space<vmem>> -> memref<1x50x128xf32, #tpu.memory_space<vmem>>
    %dma_start3A_103 = tpu.memref_squeeze %dma_start3A_102 : memref<1x50x128xf32, #tpu.memory_space<vmem>> -> memref<50x128xf32, #tpu.memory_space<vmem>>
    %dma_start3A_104 = arith.constant 0 : i32
    %dma_start3A_105 = tpu.memref_slice %arg5[%dma_start3A_92, %dma_start3A_104] : memref<512x50xi32, #tpu.memory_space<vmem>> -> memref<1x50xi32, #tpu.memory_space<vmem>>
    %dma_start3A_106 = tpu.memref_squeeze %dma_start3A_105 : memref<1x50xi32, #tpu.memory_space<vmem>> -> memref<50xi32, #tpu.memory_space<vmem>>
    %dma_start3A_107 = arith.constant 0 : i32
    %dma_start3A_108 = arith.constant 0 : i32
    %dma_start3A_109 = tpu.memref_slice %arg3[%dma_start3A_107, %dma_start3A_108] : memref<100000x128xf32, #tpu.memory_space<hbm>> -> memref<100000x128xf32, #tpu.memory_space<hbm>>
    tpu.enqueue_indirect_dma source(%dma_start3A_109 : memref<100000x128xf32, #tpu.memory_space<hbm>>) target(%dma_start3A_103 : memref<50x128xf32, #tpu.memory_space<vmem>>) offsets(%dma_start3A_106 : memref<50xi32, #tpu.memory_space<vmem>>) semaphore(%arg8 : memref<!tpu.dma_semaphore, #tpu.memory_space<semaphore_mem>>)
    %dma_start3A_110 = arith.constant 6 : i32
    %dma_start3A_111 = arith.constant 1 : i32
    %dma_start3A_112 = arith.constant 2 : i32
    %dma_start3A_113 = arith.constant 0 : i32
    %dma_start3A_114 = arith.constant 0 : i32
    %dma_start3A_115 = arith.constant 0 : i32
    %dma_start3A_116 = tpu.memref_slice %arg6[%dma_start3A_111, %dma_start3A_113, %dma_start3A_114, %dma_start3A_115] : memref<2x4x50x128xf32, #tpu.memory_space<vmem>> -> memref<1x4x50x128xf32, #tpu.memory_space<vmem>>
    %dma_start3A_117 = tpu.memref_squeeze %dma_start3A_116 : memref<1x4x50x128xf32, #tpu.memory_space<vmem>> -> memref<4x50x128xf32, #tpu.memory_space<vmem>>
    %dma_start3A_118 = arith.constant 0 : i32
    %dma_start3A_119 = arith.constant 0 : i32
    %dma_start3A_120 = tpu.memref_slice %dma_start3A_117[%dma_start3A_112, %dma_start3A_118, %dma_start3A_119] : memref<4x50x128xf32, #tpu.memory_space<vmem>> -> memref<1x50x128xf32, #tpu.memory_space<vmem>>
    %dma_start3A_121 = tpu.memref_squeeze %dma_start3A_120 : memref<1x50x128xf32, #tpu.memory_space<vmem>> -> memref<50x128xf32, #tpu.memory_space<vmem>>
    %dma_start3A_122 = arith.constant 0 : i32
    %dma_start3A_123 = tpu.memref_slice %arg5[%dma_start3A_110, %dma_start3A_122] : memref<512x50xi32, #tpu.memory_space<vmem>> -> memref<1x50xi32, #tpu.memory_space<vmem>>
    %dma_start3A_124 = tpu.memref_squeeze %dma_start3A_123 : memref<1x50xi32, #tpu.memory_space<vmem>> -> memref<50xi32, #tpu.memory_space<vmem>>
    %dma_start3A_125 = arith.constant 0 : i32
    %dma_start3A_126 = arith.constant 0 : i32
    %dma_start3A_127 = tpu.memref_slice %arg3[%dma_start3A_125, %dma_start3A_126] : memref<100000x128xf32, #tpu.memory_space<hbm>> -> memref<100000x128xf32, #tpu.memory_space<hbm>>
    tpu.enqueue_indirect_dma source(%dma_start3A_127 : memref<100000x128xf32, #tpu.memory_space<hbm>>) target(%dma_start3A_121 : memref<50x128xf32, #tpu.memory_space<vmem>>) offsets(%dma_start3A_124 : memref<50xi32, #tpu.memory_space<vmem>>) semaphore(%arg8 : memref<!tpu.dma_semaphore, #tpu.memory_space<semaphore_mem>>)
    %dma_start3A_128 = arith.constant 7 : i32
    %dma_start3A_129 = arith.constant 1 : i32
    %dma_start3A_130 = arith.constant 3 : i32
    %dma_start3A_131 = arith.constant 0 : i32
    %dma_start3A_132 = arith.constant 0 : i32
    %dma_start3A_133 = arith.constant 0 : i32
    %dma_start3A_134 = tpu.memref_slice %arg6[%dma_start3A_129, %dma_start3A_131, %dma_start3A_132, %dma_start3A_133] : memref<2x4x50x128xf32, #tpu.memory_space<vmem>> -> memref<1x4x50x128xf32, #tpu.memory_space<vmem>>
    %dma_start3A_135 = tpu.memref_squeeze %dma_start3A_134 : memref<1x4x50x128xf32, #tpu.memory_space<vmem>> -> memref<4x50x128xf32, #tpu.memory_space<vmem>>
    %dma_start3A_136 = arith.constant 0 : i32
    %dma_start3A_137 = arith.constant 0 : i32
    %dma_start3A_138 = tpu.memref_slice %dma_start3A_135[%dma_start3A_130, %dma_start3A_136, %dma_start3A_137] : memref<4x50x128xf32, #tpu.memory_space<vmem>> -> memref<1x50x128xf32, #tpu.memory_space<vmem>>
    %dma_start3A_139 = tpu.memref_squeeze %dma_start3A_138 : memref<1x50x128xf32, #tpu.memory_space<vmem>> -> memref<50x128xf32, #tpu.memory_space<vmem>>
    %dma_start3A_140 = arith.constant 0 : i32
    %dma_start3A_141 = tpu.memref_slice %arg5[%dma_start3A_128, %dma_start3A_140] : memref<512x50xi32, #tpu.memory_space<vmem>> -> memref<1x50xi32, #tpu.memory_space<vmem>>
    %dma_start3A_142 = tpu.memref_squeeze %dma_start3A_141 : memref<1x50xi32, #tpu.memory_space<vmem>> -> memref<50xi32, #tpu.memory_space<vmem>>
    %dma_start3A_143 = arith.constant 0 : i32
    %dma_start3A_144 = arith.constant 0 : i32
    %dma_start3A_145 = tpu.memref_slice %arg3[%dma_start3A_143, %dma_start3A_144] : memref<100000x128xf32, #tpu.memory_space<hbm>> -> memref<100000x128xf32, #tpu.memory_space<hbm>>
    tpu.enqueue_indirect_dma source(%dma_start3A_145 : memref<100000x128xf32, #tpu.memory_space<hbm>>) target(%dma_start3A_139 : memref<50x128xf32, #tpu.memory_space<vmem>>) offsets(%dma_start3A_142 : memref<50xi32, #tpu.memory_space<vmem>>) semaphore(%arg8 : memref<!tpu.dma_semaphore, #tpu.memory_space<semaphore_mem>>)
    %scan3A = arith.constant 0 : i32
    %scan3A_146 = arith.constant 63 : i32
    %scan3A_147 = arith.addi %scan3A, %scan3A_146 : i32
    %scan3A_148 = arith.constant 1 : i32
    scf.for %scan3A_192 = %scan3A to %scan3A_147 step %scan3A_148  : i32 {
      %mul3A_193 = arith.constant 2 : i32
      %mul3A_194 = arith.muli %scan3A_192, %mul3A_193 : i32
      %add3A_195 = arith.constant 0 : i32
      %add3A_196 = arith.addi %add3A_195, %mul3A_194 : i32
      %add3A_197 = arith.constant 0 : i32
      %add3A_198 = arith.addi %add3A_196, %add3A_197 : i32
      %dma_wait3A_199 = arith.constant 0 : i32
      %dma_wait3A_200 = arith.constant 0 : i32
      %dma_wait3A_201 = arith.constant 0 : i32
      %dma_wait3A_202 = arith.constant 0 : i32
      %dma_wait3A_203 = tpu.memref_slice %arg6[%dma_wait3A_199, %dma_wait3A_200, %dma_wait3A_201, %dma_wait3A_202] : memref<2x4x50x128xf32, #tpu.memory_space<vmem>> -> memref<1x4x50x128xf32, #tpu.memory_space<vmem>>
      %dma_wait3A_204 = tpu.memref_squeeze %dma_wait3A_203 : memref<1x4x50x128xf32, #tpu.memory_space<vmem>> -> memref<4x50x128xf32, #tpu.memory_space<vmem>>
      %dma_wait3A_205 = arith.constant 0 : i32
      %dma_wait3A_206 = arith.constant 0 : i32
      %dma_wait3A_207 = arith.constant 0 : i32
      %dma_wait3A_208 = tpu.memref_slice %arg4[%dma_wait3A_205, %dma_wait3A_206, %dma_wait3A_207] : memref<16384x50x128xf32, #tpu.memory_space<hbm>> -> memref<4x50x128xf32, #tpu.memory_space<hbm>>
      %dma_wait3A_209 = arith.constant 0 : i32
      %dma_wait3A_210 = arith.constant 0 : i32
      %dma_wait3A_211 = arith.constant 0 : i32
      %dma_wait3A_212 = tpu.memref_slice %arg6[%dma_wait3A_199, %dma_wait3A_209, %dma_wait3A_210, %dma_wait3A_211] : memref<2x4x50x128xf32, #tpu.memory_space<vmem>> -> memref<1x4x50x128xf32, #tpu.memory_space<vmem>>
      %dma_wait3A_213 = tpu.memref_squeeze %dma_wait3A_212 : memref<1x4x50x128xf32, #tpu.memory_space<vmem>> -> memref<4x50x128xf32, #tpu.memory_space<vmem>>
      %dma_wait3A_214 = arith.constant 0 : i32
      %dma_wait3A_215 = arith.constant 0 : i32
      %dma_wait3A_216 = arith.constant 0 : i32
      %dma_wait3A_217 = tpu.memref_slice %arg4[%dma_wait3A_214, %dma_wait3A_215, %dma_wait3A_216] : memref<16384x50x128xf32, #tpu.memory_space<hbm>> -> memref<4x50x128xf32, #tpu.memory_space<hbm>>
      tpu.wait_dma2 semaphore(%arg7 : memref<!tpu.dma_semaphore, #tpu.memory_space<semaphore_mem>>) src(%dma_wait3A_217 : memref<4x50x128xf32, #tpu.memory_space<hbm>>) dst(%dma_wait3A_213 : memref<4x50x128xf32, #tpu.memory_space<vmem>>)
      %mul3A_218 = arith.constant 4 : i32
      %mul3A_219 = arith.muli %add3A_198, %mul3A_218 : i32
      %add3A_220 = arith.addi %mul3A_2, %mul3A_219 : i32
      %run_scoped3A_221 = arith.constant 0 : i32
      "tpu.region"() ({
        %run_scoped3A_258 = tpu.sem_alloc : memref<!tpu.dma_semaphore, #tpu.memory_space<semaphore_mem>>
        %dma_start3A_259 = arith.constant 0 : i32
        %dma_start3A_260 = arith.constant 0 : i32
        %dma_start3A_261 = arith.constant 0 : i32
        %dma_start3A_262 = tpu.memref_slice %arg6[%run_scoped3A_221, %dma_start3A_259, %dma_start3A_260, %dma_start3A_261] : memref<2x4x50x128xf32, #tpu.memory_space<vmem>> -> memref<1x4x50x128xf32, #tpu.memory_space<vmem>>
        %dma_start3A_263 = tpu.memref_squeeze %dma_start3A_262 : memref<1x4x50x128xf32, #tpu.memory_space<vmem>> -> memref<4x50x128xf32, #tpu.memory_space<vmem>>
        %dma_start3A_264 = arith.constant 0 : i32
        %dma_start3A_265 = arith.constant 0 : i32
        %dma_start3A_266 = tpu.memref_slice %arg4[%add3A_220, %dma_start3A_264, %dma_start3A_265] : memref<16384x50x128xf32, #tpu.memory_space<hbm>> -> memref<4x50x128xf32, #tpu.memory_space<hbm>>
        %dma_start3A_267 = arith.constant 0 : i32
        %dma_start3A_268 = arith.constant 0 : i32
        %dma_start3A_269 = tpu.memref_slice %arg4[%add3A_220, %dma_start3A_267, %dma_start3A_268] : memref<16384x50x128xf32, #tpu.memory_space<hbm>> -> memref<4x50x128xf32, #tpu.memory_space<hbm>>
        %dma_start3A_270 = arith.constant 0 : i32
        %dma_start3A_271 = arith.constant 0 : i32
        %dma_start3A_272 = arith.constant 0 : i32
        %dma_start3A_273 = tpu.memref_slice %arg6[%run_scoped3A_221, %dma_start3A_270, %dma_start3A_271, %dma_start3A_272] : memref<2x4x50x128xf32, #tpu.memory_space<vmem>> -> memref<1x4x50x128xf32, #tpu.memory_space<vmem>>
        %dma_start3A_274 = tpu.memref_squeeze %dma_start3A_273 : memref<1x4x50x128xf32, #tpu.memory_space<vmem>> -> memref<4x50x128xf32, #tpu.memory_space<vmem>>
        tpu.enqueue_dma source(%dma_start3A_274 : memref<4x50x128xf32, #tpu.memory_space<vmem>>) target(%dma_start3A_269 : memref<4x50x128xf32, #tpu.memory_space<hbm>>) target_semaphore(%run_scoped3A_258 : memref<!tpu.dma_semaphore, #tpu.memory_space<semaphore_mem>>)
        %dma_wait3A_275 = arith.constant 0 : i32
        %dma_wait3A_276 = arith.constant 0 : i32
        %dma_wait3A_277 = arith.constant 0 : i32
        %dma_wait3A_278 = tpu.memref_slice %arg6[%run_scoped3A_221, %dma_wait3A_275, %dma_wait3A_276, %dma_wait3A_277] : memref<2x4x50x128xf32, #tpu.memory_space<vmem>> -> memref<1x4x50x128xf32, #tpu.memory_space<vmem>>
        %dma_wait3A_279 = tpu.memref_squeeze %dma_wait3A_278 : memref<1x4x50x128xf32, #tpu.memory_space<vmem>> -> memref<4x50x128xf32, #tpu.memory_space<vmem>>
        %dma_wait3A_280 = arith.constant 0 : i32
        %dma_wait3A_281 = arith.constant 0 : i32
        %dma_wait3A_282 = tpu.memref_slice %arg4[%add3A_220, %dma_wait3A_280, %dma_wait3A_281] : memref<16384x50x128xf32, #tpu.memory_space<hbm>> -> memref<4x50x128xf32, #tpu.memory_space<hbm>>
        %dma_wait3A_283 = arith.constant 0 : i32
        %dma_wait3A_284 = arith.constant 0 : i32
        %dma_wait3A_285 = tpu.memref_slice %arg4[%add3A_220, %dma_wait3A_283, %dma_wait3A_284] : memref<16384x50x128xf32, #tpu.memory_space<hbm>> -> memref<4x50x128xf32, #tpu.memory_space<hbm>>
        %dma_wait3A_286 = arith.constant 0 : i32
        %dma_wait3A_287 = arith.constant 0 : i32
        %dma_wait3A_288 = arith.constant 0 : i32
        %dma_wait3A_289 = tpu.memref_slice %arg6[%run_scoped3A_221, %dma_wait3A_286, %dma_wait3A_287, %dma_wait3A_288] : memref<2x4x50x128xf32, #tpu.memory_space<vmem>> -> memref<1x4x50x128xf32, #tpu.memory_space<vmem>>
        %dma_wait3A_290 = tpu.memref_squeeze %dma_wait3A_289 : memref<1x4x50x128xf32, #tpu.memory_space<vmem>> -> memref<4x50x128xf32, #tpu.memory_space<vmem>>
        tpu.wait_dma2 semaphore(%run_scoped3A_258 : memref<!tpu.dma_semaphore, #tpu.memory_space<semaphore_mem>>) src(%dma_wait3A_290 : memref<4x50x128xf32, #tpu.memory_space<vmem>>) dst(%dma_wait3A_285 : memref<4x50x128xf32, #tpu.memory_space<hbm>>)
        tpu.yield
      }) : () -> ()
      %add3A_222 = arith.constant 2 : i32
      %add3A_223 = arith.addi %add3A_198, %add3A_222 : i32
      %lt3A = arith.constant 128 : i32
      %lt3A_224 = arith.cmpi slt, %add3A_223, %lt3A : i32
      %convert_element_type3A = arith.extui %lt3A_224 : i1 to i32
      %cond3A = arith.constant 0 : i32
      %cond3A_225 = arith.cmpi ne, %convert_element_type3A, %cond3A : i32
      scf.if %cond3A_225 {
        %add3A_258 = arith.constant 2 : i32
        %add3A_259 = arith.addi %add3A_198, %add3A_258 : i32
        %mul3A_260 = arith.constant 4 : i32
        %mul3A_261 = arith.muli %add3A_259, %mul3A_260 : i32
        %add3A_262 = arith.constant 0 : i32
        %add3A_263 = arith.addi %mul3A_261, %add3A_262 : i32
        %dma_start3A_264 = arith.constant 0 : i32
        %dma_start3A_265 = arith.constant 0 : i32
        %dma_start3A_266 = arith.constant 0 : i32
        %dma_start3A_267 = arith.constant 0 : i32
        %dma_start3A_268 = arith.constant 0 : i32
        %dma_start3A_269 = tpu.memref_slice %arg6[%dma_start3A_264, %dma_start3A_266, %dma_start3A_267, %dma_start3A_268] : memref<2x4x50x128xf32, #tpu.memory_space<vmem>> -> memref<1x4x50x128xf32, #tpu.memory_space<vmem>>
        %dma_start3A_270 = tpu.memref_squeeze %dma_start3A_269 : memref<1x4x50x128xf32, #tpu.memory_space<vmem>> -> memref<4x50x128xf32, #tpu.memory_space<vmem>>
        %dma_start3A_271 = arith.constant 0 : i32
        %dma_start3A_272 = arith.constant 0 : i32
        %dma_start3A_273 = tpu.memref_slice %dma_start3A_270[%dma_start3A_265, %dma_start3A_271, %dma_start3A_272] : memref<4x50x128xf32, #tpu.memory_space<vmem>> -> memref<1x50x128xf32, #tpu.memory_space<vmem>>
        %dma_start3A_274 = tpu.memref_squeeze %dma_start3A_273 : memref<1x50x128xf32, #tpu.memory_space<vmem>> -> memref<50x128xf32, #tpu.memory_space<vmem>>
        %dma_start3A_275 = arith.constant 0 : i32
        %dma_start3A_276 = tpu.memref_slice %arg5[%add3A_263, %dma_start3A_275] : memref<512x50xi32, #tpu.memory_space<vmem>> -> memref<1x50xi32, #tpu.memory_space<vmem>>
        %dma_start3A_277 = tpu.memref_squeeze %dma_start3A_276 : memref<1x50xi32, #tpu.memory_space<vmem>> -> memref<50xi32, #tpu.memory_space<vmem>>
        %dma_start3A_278 = arith.constant 0 : i32
        %dma_start3A_279 = arith.constant 0 : i32
        %dma_start3A_280 = tpu.memref_slice %arg3[%dma_start3A_278, %dma_start3A_279] : memref<100000x128xf32, #tpu.memory_space<hbm>> -> memref<100000x128xf32, #tpu.memory_space<hbm>>
        tpu.enqueue_indirect_dma source(%dma_start3A_280 : memref<100000x128xf32, #tpu.memory_space<hbm>>) target(%dma_start3A_274 : memref<50x128xf32, #tpu.memory_space<vmem>>) offsets(%dma_start3A_277 : memref<50xi32, #tpu.memory_space<vmem>>) semaphore(%arg7 : memref<!tpu.dma_semaphore, #tpu.memory_space<semaphore_mem>>)
        %add3A_281 = arith.constant 1 : i32
        %add3A_282 = arith.addi %mul3A_261, %add3A_281 : i32
        %dma_start3A_283 = arith.constant 0 : i32
        %dma_start3A_284 = arith.constant 1 : i32
        %dma_start3A_285 = arith.constant 0 : i32
        %dma_start3A_286 = arith.constant 0 : i32
        %dma_start3A_287 = arith.constant 0 : i32
        %dma_start3A_288 = tpu.memref_slice %arg6[%dma_start3A_283, %dma_start3A_285, %dma_start3A_286, %dma_start3A_287] : memref<2x4x50x128xf32, #tpu.memory_space<vmem>> -> memref<1x4x50x128xf32, #tpu.memory_space<vmem>>
        %dma_start3A_289 = tpu.memref_squeeze %dma_start3A_288 : memref<1x4x50x128xf32, #tpu.memory_space<vmem>> -> memref<4x50x128xf32, #tpu.memory_space<vmem>>
        %dma_start3A_290 = arith.constant 0 : i32
        %dma_start3A_291 = arith.constant 0 : i32
        %dma_start3A_292 = tpu.memref_slice %dma_start3A_289[%dma_start3A_284, %dma_start3A_290, %dma_start3A_291] : memref<4x50x128xf32, #tpu.memory_space<vmem>> -> memref<1x50x128xf32, #tpu.memory_space<vmem>>
        %dma_start3A_293 = tpu.memref_squeeze %dma_start3A_292 : memref<1x50x128xf32, #tpu.memory_space<vmem>> -> memref<50x128xf32, #tpu.memory_space<vmem>>
        %dma_start3A_294 = arith.constant 0 : i32
        %dma_start3A_295 = tpu.memref_slice %arg5[%add3A_282, %dma_start3A_294] : memref<512x50xi32, #tpu.memory_space<vmem>> -> memref<1x50xi32, #tpu.memory_space<vmem>>
        %dma_start3A_296 = tpu.memref_squeeze %dma_start3A_295 : memref<1x50xi32, #tpu.memory_space<vmem>> -> memref<50xi32, #tpu.memory_space<vmem>>
        %dma_start3A_297 = arith.constant 0 : i32
        %dma_start3A_298 = arith.constant 0 : i32
        %dma_start3A_299 = tpu.memref_slice %arg3[%dma_start3A_297, %dma_start3A_298] : memref<100000x128xf32, #tpu.memory_space<hbm>> -> memref<100000x128xf32, #tpu.memory_space<hbm>>
        tpu.enqueue_indirect_dma source(%dma_start3A_299 : memref<100000x128xf32, #tpu.memory_space<hbm>>) target(%dma_start3A_293 : memref<50x128xf32, #tpu.memory_space<vmem>>) offsets(%dma_start3A_296 : memref<50xi32, #tpu.memory_space<vmem>>) semaphore(%arg7 : memref<!tpu.dma_semaphore, #tpu.memory_space<semaphore_mem>>)
        %add3A_300 = arith.constant 2 : i32
        %add3A_301 = arith.addi %mul3A_261, %add3A_300 : i32
        %dma_start3A_302 = arith.constant 0 : i32
        %dma_start3A_303 = arith.constant 2 : i32
        %dma_start3A_304 = arith.constant 0 : i32
        %dma_start3A_305 = arith.constant 0 : i32
        %dma_start3A_306 = arith.constant 0 : i32
        %dma_start3A_307 = tpu.memref_slice %arg6[%dma_start3A_302, %dma_start3A_304, %dma_start3A_305, %dma_start3A_306] : memref<2x4x50x128xf32, #tpu.memory_space<vmem>> -> memref<1x4x50x128xf32, #tpu.memory_space<vmem>>
        %dma_start3A_308 = tpu.memref_squeeze %dma_start3A_307 : memref<1x4x50x128xf32, #tpu.memory_space<vmem>> -> memref<4x50x128xf32, #tpu.memory_space<vmem>>
        %dma_start3A_309 = arith.constant 0 : i32
        %dma_start3A_310 = arith.constant 0 : i32
        %dma_start3A_311 = tpu.memref_slice %dma_start3A_308[%dma_start3A_303, %dma_start3A_309, %dma_start3A_310] : memref<4x50x128xf32, #tpu.memory_space<vmem>> -> memref<1x50x128xf32, #tpu.memory_space<vmem>>
        %dma_start3A_312 = tpu.memref_squeeze %dma_start3A_311 : memref<1x50x128xf32, #tpu.memory_space<vmem>> -> memref<50x128xf32, #tpu.memory_space<vmem>>
        %dma_start3A_313 = arith.constant 0 : i32
        %dma_start3A_314 = tpu.memref_slice %arg5[%add3A_301, %dma_start3A_313] : memref<512x50xi32, #tpu.memory_space<vmem>> -> memref<1x50xi32, #tpu.memory_space<vmem>>
        %dma_start3A_315 = tpu.memref_squeeze %dma_start3A_314 : memref<1x50xi32, #tpu.memory_space<vmem>> -> memref<50xi32, #tpu.memory_space<vmem>>
        %dma_start3A_316 = arith.constant 0 : i32
        %dma_start3A_317 = arith.constant 0 : i32
        %dma_start3A_318 = tpu.memref_slice %arg3[%dma_start3A_316, %dma_start3A_317] : memref<100000x128xf32, #tpu.memory_space<hbm>> -> memref<100000x128xf32, #tpu.memory_space<hbm>>
        tpu.enqueue_indirect_dma source(%dma_start3A_318 : memref<100000x128xf32, #tpu.memory_space<hbm>>) target(%dma_start3A_312 : memref<50x128xf32, #tpu.memory_space<vmem>>) offsets(%dma_start3A_315 : memref<50xi32, #tpu.memory_space<vmem>>) semaphore(%arg7 : memref<!tpu.dma_semaphore, #tpu.memory_space<semaphore_mem>>)
        %add3A_319 = arith.constant 3 : i32
        %add3A_320 = arith.addi %mul3A_261, %add3A_319 : i32
        %dma_start3A_321 = arith.constant 0 : i32
        %dma_start3A_322 = arith.constant 3 : i32
        %dma_start3A_323 = arith.constant 0 : i32
        %dma_start3A_324 = arith.constant 0 : i32
        %dma_start3A_325 = arith.constant 0 : i32
        %dma_start3A_326 = tpu.memref_slice %arg6[%dma_start3A_321, %dma_start3A_323, %dma_start3A_324, %dma_start3A_325] : memref<2x4x50x128xf32, #tpu.memory_space<vmem>> -> memref<1x4x50x128xf32, #tpu.memory_space<vmem>>
        %dma_start3A_327 = tpu.memref_squeeze %dma_start3A_326 : memref<1x4x50x128xf32, #tpu.memory_space<vmem>> -> memref<4x50x128xf32, #tpu.memory_space<vmem>>
        %dma_start3A_328 = arith.constant 0 : i32
        %dma_start3A_329 = arith.constant 0 : i32
        %dma_start3A_330 = tpu.memref_slice %dma_start3A_327[%dma_start3A_322, %dma_start3A_328, %dma_start3A_329] : memref<4x50x128xf32, #tpu.memory_space<vmem>> -> memref<1x50x128xf32, #tpu.memory_space<vmem>>
        %dma_start3A_331 = tpu.memref_squeeze %dma_start3A_330 : memref<1x50x128xf32, #tpu.memory_space<vmem>> -> memref<50x128xf32, #tpu.memory_space<vmem>>
        %dma_start3A_332 = arith.constant 0 : i32
        %dma_start3A_333 = tpu.memref_slice %arg5[%add3A_320, %dma_start3A_332] : memref<512x50xi32, #tpu.memory_space<vmem>> -> memref<1x50xi32, #tpu.memory_space<vmem>>
        %dma_start3A_334 = tpu.memref_squeeze %dma_start3A_333 : memref<1x50xi32, #tpu.memory_space<vmem>> -> memref<50xi32, #tpu.memory_space<vmem>>
        %dma_start3A_335 = arith.constant 0 : i32
        %dma_start3A_336 = arith.constant 0 : i32
        %dma_start3A_337 = tpu.memref_slice %arg3[%dma_start3A_335, %dma_start3A_336] : memref<100000x128xf32, #tpu.memory_space<hbm>> -> memref<100000x128xf32, #tpu.memory_space<hbm>>
        tpu.enqueue_indirect_dma source(%dma_start3A_337 : memref<100000x128xf32, #tpu.memory_space<hbm>>) target(%dma_start3A_331 : memref<50x128xf32, #tpu.memory_space<vmem>>) offsets(%dma_start3A_334 : memref<50xi32, #tpu.memory_space<vmem>>) semaphore(%arg7 : memref<!tpu.dma_semaphore, #tpu.memory_space<semaphore_mem>>)
      } else {
      }
      %add3A_226 = arith.constant 1 : i32
      %add3A_227 = arith.addi %add3A_196, %add3A_226 : i32
      %dma_wait3A_228 = arith.constant 1 : i32
      %dma_wait3A_229 = arith.constant 0 : i32
      %dma_wait3A_230 = arith.constant 0 : i32
      %dma_wait3A_231 = arith.constant 0 : i32
      %dma_wait3A_232 = tpu.memref_slice %arg6[%dma_wait3A_228, %dma_wait3A_229, %dma_wait3A_230, %dma_wait3A_231] : memref<2x4x50x128xf32, #tpu.memory_space<vmem>> -> memref<1x4x50x128xf32, #tpu.memory_space<vmem>>
      %dma_wait3A_233 = tpu.memref_squeeze %dma_wait3A_232 : memref<1x4x50x128xf32, #tpu.memory_space<vmem>> -> memref<4x50x128xf32, #tpu.memory_space<vmem>>
      %dma_wait3A_234 = arith.constant 0 : i32
      %dma_wait3A_235 = arith.constant 0 : i32
      %dma_wait3A_236 = arith.constant 0 : i32
      %dma_wait3A_237 = tpu.memref_slice %arg4[%dma_wait3A_234, %dma_wait3A_235, %dma_wait3A_236] : memref<16384x50x128xf32, #tpu.memory_space<hbm>> -> memref<4x50x128xf32, #tpu.memory_space<hbm>>
      %dma_wait3A_238 = arith.constant 0 : i32
      %dma_wait3A_239 = arith.constant 0 : i32
      %dma_wait3A_240 = arith.constant 0 : i32
      %dma_wait3A_241 = tpu.memref_slice %arg6[%dma_wait3A_228, %dma_wait3A_238, %dma_wait3A_239, %dma_wait3A_240] : memref<2x4x50x128xf32, #tpu.memory_space<vmem>> -> memref<1x4x50x128xf32, #tpu.memory_space<vmem>>
      %dma_wait3A_242 = tpu.memref_squeeze %dma_wait3A_241 : memref<1x4x50x128xf32, #tpu.memory_space<vmem>> -> memref<4x50x128xf32, #tpu.memory_space<vmem>>
      %dma_wait3A_243 = arith.constant 0 : i32
      %dma_wait3A_244 = arith.constant 0 : i32
      %dma_wait3A_245 = arith.constant 0 : i32
      %dma_wait3A_246 = tpu.memref_slice %arg4[%dma_wait3A_243, %dma_wait3A_244, %dma_wait3A_245] : memref<16384x50x128xf32, #tpu.memory_space<hbm>> -> memref<4x50x128xf32, #tpu.memory_space<hbm>>
      tpu.wait_dma2 semaphore(%arg8 : memref<!tpu.dma_semaphore, #tpu.memory_space<semaphore_mem>>) src(%dma_wait3A_246 : memref<4x50x128xf32, #tpu.memory_space<hbm>>) dst(%dma_wait3A_242 : memref<4x50x128xf32, #tpu.memory_space<vmem>>)
      %mul3A_247 = arith.constant 4 : i32
      %mul3A_248 = arith.muli %add3A_227, %mul3A_247 : i32
      %add3A_249 = arith.addi %mul3A_2, %mul3A_248 : i32
      %run_scoped3A_250 = arith.constant 1 : i32
      "tpu.region"() ({
        %run_scoped3A_258 = tpu.sem_alloc : memref<!tpu.dma_semaphore, #tpu.memory_space<semaphore_mem>>
        %dma_start3A_259 = arith.constant 0 : i32
        %dma_start3A_260 = arith.constant 0 : i32
        %dma_start3A_261 = arith.constant 0 : i32
        %dma_start3A_262 = tpu.memref_slice %arg6[%run_scoped3A_250, %dma_start3A_259, %dma_start3A_260, %dma_start3A_261] : memref<2x4x50x128xf32, #tpu.memory_space<vmem>> -> memref<1x4x50x128xf32, #tpu.memory_space<vmem>>
        %dma_start3A_263 = tpu.memref_squeeze %dma_start3A_262 : memref<1x4x50x128xf32, #tpu.memory_space<vmem>> -> memref<4x50x128xf32, #tpu.memory_space<vmem>>
        %dma_start3A_264 = arith.constant 0 : i32
        %dma_start3A_265 = arith.constant 0 : i32
        %dma_start3A_266 = tpu.memref_slice %arg4[%add3A_249, %dma_start3A_264, %dma_start3A_265] : memref<16384x50x128xf32, #tpu.memory_space<hbm>> -> memref<4x50x128xf32, #tpu.memory_space<hbm>>
        %dma_start3A_267 = arith.constant 0 : i32
        %dma_start3A_268 = arith.constant 0 : i32
        %dma_start3A_269 = tpu.memref_slice %arg4[%add3A_249, %dma_start3A_267, %dma_start3A_268] : memref<16384x50x128xf32, #tpu.memory_space<hbm>> -> memref<4x50x128xf32, #tpu.memory_space<hbm>>
        %dma_start3A_270 = arith.constant 0 : i32
        %dma_start3A_271 = arith.constant 0 : i32
        %dma_start3A_272 = arith.constant 0 : i32
        %dma_start3A_273 = tpu.memref_slice %arg6[%run_scoped3A_250, %dma_start3A_270, %dma_start3A_271, %dma_start3A_272] : memref<2x4x50x128xf32, #tpu.memory_space<vmem>> -> memref<1x4x50x128xf32, #tpu.memory_space<vmem>>
        %dma_start3A_274 = tpu.memref_squeeze %dma_start3A_273 : memref<1x4x50x128xf32, #tpu.memory_space<vmem>> -> memref<4x50x128xf32, #tpu.memory_space<vmem>>
        tpu.enqueue_dma source(%dma_start3A_274 : memref<4x50x128xf32, #tpu.memory_space<vmem>>) target(%dma_start3A_269 : memref<4x50x128xf32, #tpu.memory_space<hbm>>) target_semaphore(%run_scoped3A_258 : memref<!tpu.dma_semaphore, #tpu.memory_space<semaphore_mem>>)
        %dma_wait3A_275 = arith.constant 0 : i32
        %dma_wait3A_276 = arith.constant 0 : i32
        %dma_wait3A_277 = arith.constant 0 : i32
        %dma_wait3A_278 = tpu.memref_slice %arg6[%run_scoped3A_250, %dma_wait3A_275, %dma_wait3A_276, %dma_wait3A_277] : memref<2x4x50x128xf32, #tpu.memory_space<vmem>> -> memref<1x4x50x128xf32, #tpu.memory_space<vmem>>
        %dma_wait3A_279 = tpu.memref_squeeze %dma_wait3A_278 : memref<1x4x50x128xf32, #tpu.memory_space<vmem>> -> memref<4x50x128xf32, #tpu.memory_space<vmem>>
        %dma_wait3A_280 = arith.constant 0 : i32
        %dma_wait3A_281 = arith.constant 0 : i32
        %dma_wait3A_282 = tpu.memref_slice %arg4[%add3A_249, %dma_wait3A_280, %dma_wait3A_281] : memref<16384x50x128xf32, #tpu.memory_space<hbm>> -> memref<4x50x128xf32, #tpu.memory_space<hbm>>
        %dma_wait3A_283 = arith.constant 0 : i32
        %dma_wait3A_284 = arith.constant 0 : i32
        %dma_wait3A_285 = tpu.memref_slice %arg4[%add3A_249, %dma_wait3A_283, %dma_wait3A_284] : memref<16384x50x128xf32, #tpu.memory_space<hbm>> -> memref<4x50x128xf32, #tpu.memory_space<hbm>>
        %dma_wait3A_286 = arith.constant 0 : i32
        %dma_wait3A_287 = arith.constant 0 : i32
        %dma_wait3A_288 = arith.constant 0 : i32
        %dma_wait3A_289 = tpu.memref_slice %arg6[%run_scoped3A_250, %dma_wait3A_286, %dma_wait3A_287, %dma_wait3A_288] : memref<2x4x50x128xf32, #tpu.memory_space<vmem>> -> memref<1x4x50x128xf32, #tpu.memory_space<vmem>>
        %dma_wait3A_290 = tpu.memref_squeeze %dma_wait3A_289 : memref<1x4x50x128xf32, #tpu.memory_space<vmem>> -> memref<4x50x128xf32, #tpu.memory_space<vmem>>
        tpu.wait_dma2 semaphore(%run_scoped3A_258 : memref<!tpu.dma_semaphore, #tpu.memory_space<semaphore_mem>>) src(%dma_wait3A_290 : memref<4x50x128xf32, #tpu.memory_space<vmem>>) dst(%dma_wait3A_285 : memref<4x50x128xf32, #tpu.memory_space<hbm>>)
        tpu.yield
      }) : () -> ()
      %add3A_251 = arith.constant 2 : i32
      %add3A_252 = arith.addi %add3A_227, %add3A_251 : i32
      %lt3A_253 = arith.constant 128 : i32
      %lt3A_254 = arith.cmpi slt, %add3A_252, %lt3A_253 : i32
      %convert_element_type3A_255 = arith.extui %lt3A_254 : i1 to i32
      %cond3A_256 = arith.constant 0 : i32
      %cond3A_257 = arith.cmpi ne, %convert_element_type3A_255, %cond3A_256 : i32
      scf.if %cond3A_257 {
        %add3A_258 = arith.constant 2 : i32
        %add3A_259 = arith.addi %add3A_227, %add3A_258 : i32
        %mul3A_260 = arith.constant 4 : i32
        %mul3A_261 = arith.muli %add3A_259, %mul3A_260 : i32
        %add3A_262 = arith.constant 0 : i32
        %add3A_263 = arith.addi %mul3A_261, %add3A_262 : i32
        %dma_start3A_264 = arith.constant 1 : i32
        %dma_start3A_265 = arith.constant 0 : i32
        %dma_start3A_266 = arith.constant 0 : i32
        %dma_start3A_267 = arith.constant 0 : i32
        %dma_start3A_268 = arith.constant 0 : i32
        %dma_start3A_269 = tpu.memref_slice %arg6[%dma_start3A_264, %dma_start3A_266, %dma_start3A_267, %dma_start3A_268] : memref<2x4x50x128xf32, #tpu.memory_space<vmem>> -> memref<1x4x50x128xf32, #tpu.memory_space<vmem>>
        %dma_start3A_270 = tpu.memref_squeeze %dma_start3A_269 : memref<1x4x50x128xf32, #tpu.memory_space<vmem>> -> memref<4x50x128xf32, #tpu.memory_space<vmem>>
        %dma_start3A_271 = arith.constant 0 : i32
        %dma_start3A_272 = arith.constant 0 : i32
        %dma_start3A_273 = tpu.memref_slice %dma_start3A_270[%dma_start3A_265, %dma_start3A_271, %dma_start3A_272] : memref<4x50x128xf32, #tpu.memory_space<vmem>> -> memref<1x50x128xf32, #tpu.memory_space<vmem>>
        %dma_start3A_274 = tpu.memref_squeeze %dma_start3A_273 : memref<1x50x128xf32, #tpu.memory_space<vmem>> -> memref<50x128xf32, #tpu.memory_space<vmem>>
        %dma_start3A_275 = arith.constant 0 : i32
        %dma_start3A_276 = tpu.memref_slice %arg5[%add3A_263, %dma_start3A_275] : memref<512x50xi32, #tpu.memory_space<vmem>> -> memref<1x50xi32, #tpu.memory_space<vmem>>
        %dma_start3A_277 = tpu.memref_squeeze %dma_start3A_276 : memref<1x50xi32, #tpu.memory_space<vmem>> -> memref<50xi32, #tpu.memory_space<vmem>>
        %dma_start3A_278 = arith.constant 0 : i32
        %dma_start3A_279 = arith.constant 0 : i32
        %dma_start3A_280 = tpu.memref_slice %arg3[%dma_start3A_278, %dma_start3A_279] : memref<100000x128xf32, #tpu.memory_space<hbm>> -> memref<100000x128xf32, #tpu.memory_space<hbm>>
        tpu.enqueue_indirect_dma source(%dma_start3A_280 : memref<100000x128xf32, #tpu.memory_space<hbm>>) target(%dma_start3A_274 : memref<50x128xf32, #tpu.memory_space<vmem>>) offsets(%dma_start3A_277 : memref<50xi32, #tpu.memory_space<vmem>>) semaphore(%arg8 : memref<!tpu.dma_semaphore, #tpu.memory_space<semaphore_mem>>)
        %add3A_281 = arith.constant 1 : i32
        %add3A_282 = arith.addi %mul3A_261, %add3A_281 : i32
        %dma_start3A_283 = arith.constant 1 : i32
        %dma_start3A_284 = arith.constant 1 : i32
        %dma_start3A_285 = arith.constant 0 : i32
        %dma_start3A_286 = arith.constant 0 : i32
        %dma_start3A_287 = arith.constant 0 : i32
        %dma_start3A_288 = tpu.memref_slice %arg6[%dma_start3A_283, %dma_start3A_285, %dma_start3A_286, %dma_start3A_287] : memref<2x4x50x128xf32, #tpu.memory_space<vmem>> -> memref<1x4x50x128xf32, #tpu.memory_space<vmem>>
        %dma_start3A_289 = tpu.memref_squeeze %dma_start3A_288 : memref<1x4x50x128xf32, #tpu.memory_space<vmem>> -> memref<4x50x128xf32, #tpu.memory_space<vmem>>
        %dma_start3A_290 = arith.constant 0 : i32
        %dma_start3A_291 = arith.constant 0 : i32
        %dma_start3A_292 = tpu.memref_slice %dma_start3A_289[%dma_start3A_284, %dma_start3A_290, %dma_start3A_291] : memref<4x50x128xf32, #tpu.memory_space<vmem>> -> memref<1x50x128xf32, #tpu.memory_space<vmem>>
        %dma_start3A_293 = tpu.memref_squeeze %dma_start3A_292 : memref<1x50x128xf32, #tpu.memory_space<vmem>> -> memref<50x128xf32, #tpu.memory_space<vmem>>
        %dma_start3A_294 = arith.constant 0 : i32
        %dma_start3A_295 = tpu.memref_slice %arg5[%add3A_282, %dma_start3A_294] : memref<512x50xi32, #tpu.memory_space<vmem>> -> memref<1x50xi32, #tpu.memory_space<vmem>>
        %dma_start3A_296 = tpu.memref_squeeze %dma_start3A_295 : memref<1x50xi32, #tpu.memory_space<vmem>> -> memref<50xi32, #tpu.memory_space<vmem>>
        %dma_start3A_297 = arith.constant 0 : i32
        %dma_start3A_298 = arith.constant 0 : i32
        %dma_start3A_299 = tpu.memref_slice %arg3[%dma_start3A_297, %dma_start3A_298] : memref<100000x128xf32, #tpu.memory_space<hbm>> -> memref<100000x128xf32, #tpu.memory_space<hbm>>
        tpu.enqueue_indirect_dma source(%dma_start3A_299 : memref<100000x128xf32, #tpu.memory_space<hbm>>) target(%dma_start3A_293 : memref<50x128xf32, #tpu.memory_space<vmem>>) offsets(%dma_start3A_296 : memref<50xi32, #tpu.memory_space<vmem>>) semaphore(%arg8 : memref<!tpu.dma_semaphore, #tpu.memory_space<semaphore_mem>>)
        %add3A_300 = arith.constant 2 : i32
        %add3A_301 = arith.addi %mul3A_261, %add3A_300 : i32
        %dma_start3A_302 = arith.constant 1 : i32
        %dma_start3A_303 = arith.constant 2 : i32
        %dma_start3A_304 = arith.constant 0 : i32
        %dma_start3A_305 = arith.constant 0 : i32
        %dma_start3A_306 = arith.constant 0 : i32
        %dma_start3A_307 = tpu.memref_slice %arg6[%dma_start3A_302, %dma_start3A_304, %dma_start3A_305, %dma_start3A_306] : memref<2x4x50x128xf32, #tpu.memory_space<vmem>> -> memref<1x4x50x128xf32, #tpu.memory_space<vmem>>
        %dma_start3A_308 = tpu.memref_squeeze %dma_start3A_307 : memref<1x4x50x128xf32, #tpu.memory_space<vmem>> -> memref<4x50x128xf32, #tpu.memory_space<vmem>>
        %dma_start3A_309 = arith.constant 0 : i32
        %dma_start3A_310 = arith.constant 0 : i32
        %dma_start3A_311 = tpu.memref_slice %dma_start3A_308[%dma_start3A_303, %dma_start3A_309, %dma_start3A_310] : memref<4x50x128xf32, #tpu.memory_space<vmem>> -> memref<1x50x128xf32, #tpu.memory_space<vmem>>
        %dma_start3A_312 = tpu.memref_squeeze %dma_start3A_311 : memref<1x50x128xf32, #tpu.memory_space<vmem>> -> memref<50x128xf32, #tpu.memory_space<vmem>>
        %dma_start3A_313 = arith.constant 0 : i32
        %dma_start3A_314 = tpu.memref_slice %arg5[%add3A_301, %dma_start3A_313] : memref<512x50xi32, #tpu.memory_space<vmem>> -> memref<1x50xi32, #tpu.memory_space<vmem>>
        %dma_start3A_315 = tpu.memref_squeeze %dma_start3A_314 : memref<1x50xi32, #tpu.memory_space<vmem>> -> memref<50xi32, #tpu.memory_space<vmem>>
        %dma_start3A_316 = arith.constant 0 : i32
        %dma_start3A_317 = arith.constant 0 : i32
        %dma_start3A_318 = tpu.memref_slice %arg3[%dma_start3A_316, %dma_start3A_317] : memref<100000x128xf32, #tpu.memory_space<hbm>> -> memref<100000x128xf32, #tpu.memory_space<hbm>>
        tpu.enqueue_indirect_dma source(%dma_start3A_318 : memref<100000x128xf32, #tpu.memory_space<hbm>>) target(%dma_start3A_312 : memref<50x128xf32, #tpu.memory_space<vmem>>) offsets(%dma_start3A_315 : memref<50xi32, #tpu.memory_space<vmem>>) semaphore(%arg8 : memref<!tpu.dma_semaphore, #tpu.memory_space<semaphore_mem>>)
        %add3A_319 = arith.constant 3 : i32
        %add3A_320 = arith.addi %mul3A_261, %add3A_319 : i32
        %dma_start3A_321 = arith.constant 1 : i32
        %dma_start3A_322 = arith.constant 3 : i32
        %dma_start3A_323 = arith.constant 0 : i32
        %dma_start3A_324 = arith.constant 0 : i32
        %dma_start3A_325 = arith.constant 0 : i32
        %dma_start3A_326 = tpu.memref_slice %arg6[%dma_start3A_321, %dma_start3A_323, %dma_start3A_324, %dma_start3A_325] : memref<2x4x50x128xf32, #tpu.memory_space<vmem>> -> memref<1x4x50x128xf32, #tpu.memory_space<vmem>>
        %dma_start3A_327 = tpu.memref_squeeze %dma_start3A_326 : memref<1x4x50x128xf32, #tpu.memory_space<vmem>> -> memref<4x50x128xf32, #tpu.memory_space<vmem>>
        %dma_start3A_328 = arith.constant 0 : i32
        %dma_start3A_329 = arith.constant 0 : i32
        %dma_start3A_330 = tpu.memref_slice %dma_start3A_327[%dma_start3A_322, %dma_start3A_328, %dma_start3A_329] : memref<4x50x128xf32, #tpu.memory_space<vmem>> -> memref<1x50x128xf32, #tpu.memory_space<vmem>>
        %dma_start3A_331 = tpu.memref_squeeze %dma_start3A_330 : memref<1x50x128xf32, #tpu.memory_space<vmem>> -> memref<50x128xf32, #tpu.memory_space<vmem>>
        %dma_start3A_332 = arith.constant 0 : i32
        %dma_start3A_333 = tpu.memref_slice %arg5[%add3A_320, %dma_start3A_332] : memref<512x50xi32, #tpu.memory_space<vmem>> -> memref<1x50xi32, #tpu.memory_space<vmem>>
        %dma_start3A_334 = tpu.memref_squeeze %dma_start3A_333 : memref<1x50xi32, #tpu.memory_space<vmem>> -> memref<50xi32, #tpu.memory_space<vmem>>
        %dma_start3A_335 = arith.constant 0 : i32
        %dma_start3A_336 = arith.constant 0 : i32
        %dma_start3A_337 = tpu.memref_slice %arg3[%dma_start3A_335, %dma_start3A_336] : memref<100000x128xf32, #tpu.memory_space<hbm>> -> memref<100000x128xf32, #tpu.memory_space<hbm>>
        tpu.enqueue_indirect_dma source(%dma_start3A_337 : memref<100000x128xf32, #tpu.memory_space<hbm>>) target(%dma_start3A_331 : memref<50x128xf32, #tpu.memory_space<vmem>>) offsets(%dma_start3A_334 : memref<50xi32, #tpu.memory_space<vmem>>) semaphore(%arg8 : memref<!tpu.dma_semaphore, #tpu.memory_space<semaphore_mem>>)
      } else {
      }
    }
    %scan3A_149 = arith.constant 63 : i32
    %dma_wait3A = arith.constant 0 : i32
    %dma_wait3A_150 = arith.constant 0 : i32
    %dma_wait3A_151 = arith.constant 0 : i32
    %dma_wait3A_152 = arith.constant 0 : i32
    %dma_wait3A_153 = tpu.memref_slice %arg6[%dma_wait3A, %dma_wait3A_150, %dma_wait3A_151, %dma_wait3A_152] : memref<2x4x50x128xf32, #tpu.memory_space<vmem>> -> memref<1x4x50x128xf32, #tpu.memory_space<vmem>>
    %dma_wait3A_154 = tpu.memref_squeeze %dma_wait3A_153 : memref<1x4x50x128xf32, #tpu.memory_space<vmem>> -> memref<4x50x128xf32, #tpu.memory_space<vmem>>
    %dma_wait3A_155 = arith.constant 0 : i32
    %dma_wait3A_156 = arith.constant 0 : i32
    %dma_wait3A_157 = arith.constant 0 : i32
    %dma_wait3A_158 = tpu.memref_slice %arg4[%dma_wait3A_155, %dma_wait3A_156, %dma_wait3A_157] : memref<16384x50x128xf32, #tpu.memory_space<hbm>> -> memref<4x50x128xf32, #tpu.memory_space<hbm>>
    %dma_wait3A_159 = arith.constant 0 : i32
    %dma_wait3A_160 = arith.constant 0 : i32
    %dma_wait3A_161 = arith.constant 0 : i32
    %dma_wait3A_162 = tpu.memref_slice %arg6[%dma_wait3A, %dma_wait3A_159, %dma_wait3A_160, %dma_wait3A_161] : memref<2x4x50x128xf32, #tpu.memory_space<vmem>> -> memref<1x4x50x128xf32, #tpu.memory_space<vmem>>
    %dma_wait3A_163 = tpu.memref_squeeze %dma_wait3A_162 : memref<1x4x50x128xf32, #tpu.memory_space<vmem>> -> memref<4x50x128xf32, #tpu.memory_space<vmem>>
    %dma_wait3A_164 = arith.constant 0 : i32
    %dma_wait3A_165 = arith.constant 0 : i32
    %dma_wait3A_166 = arith.constant 0 : i32
    %dma_wait3A_167 = tpu.memref_slice %arg4[%dma_wait3A_164, %dma_wait3A_165, %dma_wait3A_166] : memref<16384x50x128xf32, #tpu.memory_space<hbm>> -> memref<4x50x128xf32, #tpu.memory_space<hbm>>
    tpu.wait_dma2 semaphore(%arg7 : memref<!tpu.dma_semaphore, #tpu.memory_space<semaphore_mem>>) src(%dma_wait3A_167 : memref<4x50x128xf32, #tpu.memory_space<hbm>>) dst(%dma_wait3A_163 : memref<4x50x128xf32, #tpu.memory_space<vmem>>)
    %add3A_168 = arith.constant 504 : i32
    %add3A_169 = arith.addi %mul3A_2, %add3A_168 : i32
    %run_scoped3A = arith.constant 0 : i32
    "tpu.region"() ({
      %run_scoped3A_192 = tpu.sem_alloc : memref<!tpu.dma_semaphore, #tpu.memory_space<semaphore_mem>>
      %dma_start3A_193 = arith.constant 0 : i32
      %dma_start3A_194 = arith.constant 0 : i32
      %dma_start3A_195 = arith.constant 0 : i32
      %dma_start3A_196 = tpu.memref_slice %arg6[%run_scoped3A, %dma_start3A_193, %dma_start3A_194, %dma_start3A_195] : memref<2x4x50x128xf32, #tpu.memory_space<vmem>> -> memref<1x4x50x128xf32, #tpu.memory_space<vmem>>
      %dma_start3A_197 = tpu.memref_squeeze %dma_start3A_196 : memref<1x4x50x128xf32, #tpu.memory_space<vmem>> -> memref<4x50x128xf32, #tpu.memory_space<vmem>>
      %dma_start3A_198 = arith.constant 0 : i32
      %dma_start3A_199 = arith.constant 0 : i32
      %dma_start3A_200 = tpu.memref_slice %arg4[%add3A_169, %dma_start3A_198, %dma_start3A_199] : memref<16384x50x128xf32, #tpu.memory_space<hbm>> -> memref<4x50x128xf32, #tpu.memory_space<hbm>>
      %dma_start3A_201 = arith.constant 0 : i32
      %dma_start3A_202 = arith.constant 0 : i32
      %dma_start3A_203 = tpu.memref_slice %arg4[%add3A_169, %dma_start3A_201, %dma_start3A_202] : memref<16384x50x128xf32, #tpu.memory_space<hbm>> -> memref<4x50x128xf32, #tpu.memory_space<hbm>>
      %dma_start3A_204 = arith.constant 0 : i32
      %dma_start3A_205 = arith.constant 0 : i32
      %dma_start3A_206 = arith.constant 0 : i32
      %dma_start3A_207 = tpu.memref_slice %arg6[%run_scoped3A, %dma_start3A_204, %dma_start3A_205, %dma_start3A_206] : memref<2x4x50x128xf32, #tpu.memory_space<vmem>> -> memref<1x4x50x128xf32, #tpu.memory_space<vmem>>
      %dma_start3A_208 = tpu.memref_squeeze %dma_start3A_207 : memref<1x4x50x128xf32, #tpu.memory_space<vmem>> -> memref<4x50x128xf32, #tpu.memory_space<vmem>>
      tpu.enqueue_dma source(%dma_start3A_208 : memref<4x50x128xf32, #tpu.memory_space<vmem>>) target(%dma_start3A_203 : memref<4x50x128xf32, #tpu.memory_space<hbm>>) target_semaphore(%run_scoped3A_192 : memref<!tpu.dma_semaphore, #tpu.memory_space<semaphore_mem>>)
      %dma_wait3A_209 = arith.constant 0 : i32
      %dma_wait3A_210 = arith.constant 0 : i32
      %dma_wait3A_211 = arith.constant 0 : i32
      %dma_wait3A_212 = tpu.memref_slice %arg6[%run_scoped3A, %dma_wait3A_209, %dma_wait3A_210, %dma_wait3A_211] : memref<2x4x50x128xf32, #tpu.memory_space<vmem>> -> memref<1x4x50x128xf32, #tpu.memory_space<vmem>>
      %dma_wait3A_213 = tpu.memref_squeeze %dma_wait3A_212 : memref<1x4x50x128xf32, #tpu.memory_space<vmem>> -> memref<4x50x128xf32, #tpu.memory_space<vmem>>
      %dma_wait3A_214 = arith.constant 0 : i32
      %dma_wait3A_215 = arith.constant 0 : i32
      %dma_wait3A_216 = tpu.memref_slice %arg4[%add3A_169, %dma_wait3A_214, %dma_wait3A_215] : memref<16384x50x128xf32, #tpu.memory_space<hbm>> -> memref<4x50x128xf32, #tpu.memory_space<hbm>>
      %dma_wait3A_217 = arith.constant 0 : i32
      %dma_wait3A_218 = arith.constant 0 : i32
      %dma_wait3A_219 = tpu.memref_slice %arg4[%add3A_169, %dma_wait3A_217, %dma_wait3A_218] : memref<16384x50x128xf32, #tpu.memory_space<hbm>> -> memref<4x50x128xf32, #tpu.memory_space<hbm>>
      %dma_wait3A_220 = arith.constant 0 : i32
      %dma_wait3A_221 = arith.constant 0 : i32
      %dma_wait3A_222 = arith.constant 0 : i32
      %dma_wait3A_223 = tpu.memref_slice %arg6[%run_scoped3A, %dma_wait3A_220, %dma_wait3A_221, %dma_wait3A_222] : memref<2x4x50x128xf32, #tpu.memory_space<vmem>> -> memref<1x4x50x128xf32, #tpu.memory_space<vmem>>
      %dma_wait3A_224 = tpu.memref_squeeze %dma_wait3A_223 : memref<1x4x50x128xf32, #tpu.memory_space<vmem>> -> memref<4x50x128xf32, #tpu.memory_space<vmem>>
      tpu.wait_dma2 semaphore(%run_scoped3A_192 : memref<!tpu.dma_semaphore, #tpu.memory_space<semaphore_mem>>) src(%dma_wait3A_224 : memref<4x50x128xf32, #tpu.memory_space<vmem>>) dst(%dma_wait3A_219 : memref<4x50x128xf32, #tpu.memory_space<hbm>>)
      tpu.yield
    }) : () -> ()
    %dma_wait3A_170 = arith.constant 1 : i32
    %dma_wait3A_171 = arith.constant 0 : i32
    %dma_wait3A_172 = arith.constant 0 : i32
    %dma_wait3A_173 = arith.constant 0 : i32
    %dma_wait3A_174 = tpu.memref_slice %arg6[%dma_wait3A_170, %dma_wait3A_171, %dma_wait3A_172, %dma_wait3A_173] : memref<2x4x50x128xf32, #tpu.memory_space<vmem>> -> memref<1x4x50x128xf32, #tpu.memory_space<vmem>>
    %dma_wait3A_175 = tpu.memref_squeeze %dma_wait3A_174 : memref<1x4x50x128xf32, #tpu.memory_space<vmem>> -> memref<4x50x128xf32, #tpu.memory_space<vmem>>
    %dma_wait3A_176 = arith.constant 0 : i32
    %dma_wait3A_177 = arith.constant 0 : i32
    %dma_wait3A_178 = arith.constant 0 : i32
    %dma_wait3A_179 = tpu.memref_slice %arg4[%dma_wait3A_176, %dma_wait3A_177, %dma_wait3A_178] : memref<16384x50x128xf32, #tpu.memory_space<hbm>> -> memref<4x50x128xf32, #tpu.memory_space<hbm>>
    %dma_wait3A_180 = arith.constant 0 : i32
    %dma_wait3A_181 = arith.constant 0 : i32
    %dma_wait3A_182 = arith.constant 0 : i32
    %dma_wait3A_183 = tpu.memref_slice %arg6[%dma_wait3A_170, %dma_wait3A_180, %dma_wait3A_181, %dma_wait3A_182] : memref<2x4x50x128xf32, #tpu.memory_space<vmem>> -> memref<1x4x50x128xf32, #tpu.memory_space<vmem>>
    %dma_wait3A_184 = tpu.memref_squeeze %dma_wait3A_183 : memref<1x4x50x128xf32, #tpu.memory_space<vmem>> -> memref<4x50x128xf32, #tpu.memory_space<vmem>>
    %dma_wait3A_185 = arith.constant 0 : i32
    %dma_wait3A_186 = arith.constant 0 : i32
    %dma_wait3A_187 = arith.constant 0 : i32
    %dma_wait3A_188 = tpu.memref_slice %arg4[%dma_wait3A_185, %dma_wait3A_186, %dma_wait3A_187] : memref<16384x50x128xf32, #tpu.memory_space<hbm>> -> memref<4x50x128xf32, #tpu.memory_space<hbm>>
    tpu.wait_dma2 semaphore(%arg8 : memref<!tpu.dma_semaphore, #tpu.memory_space<semaphore_mem>>) src(%dma_wait3A_188 : memref<4x50x128xf32, #tpu.memory_space<hbm>>) dst(%dma_wait3A_184 : memref<4x50x128xf32, #tpu.memory_space<vmem>>)
    %add3A_189 = arith.constant 508 : i32
    %add3A_190 = arith.addi %mul3A_2, %add3A_189 : i32
    %run_scoped3A_191 = arith.constant 1 : i32
    "tpu.region"() ({
      %run_scoped3A_192 = tpu.sem_alloc : memref<!tpu.dma_semaphore, #tpu.memory_space<semaphore_mem>>
      %dma_start3A_193 = arith.constant 0 : i32
      %dma_start3A_194 = arith.constant 0 : i32
      %dma_start3A_195 = arith.constant 0 : i32
      %dma_start3A_196 = tpu.memref_slice %arg6[%run_scoped3A_191, %dma_start3A_193, %dma_start3A_194, %dma_start3A_195] : memref<2x4x50x128xf32, #tpu.memory_space<vmem>> -> memref<1x4x50x128xf32, #tpu.memory_space<vmem>>
      %dma_start3A_197 = tpu.memref_squeeze %dma_start3A_196 : memref<1x4x50x128xf32, #tpu.memory_space<vmem>> -> memref<4x50x128xf32, #tpu.memory_space<vmem>>
      %dma_start3A_198 = arith.constant 0 : i32
      %dma_start3A_199 = arith.constant 0 : i32
      %dma_start3A_200 = tpu.memref_slice %arg4[%add3A_190, %dma_start3A_198, %dma_start3A_199] : memref<16384x50x128xf32, #tpu.memory_space<hbm>> -> memref<4x50x128xf32, #tpu.memory_space<hbm>>
      %dma_start3A_201 = arith.constant 0 : i32
      %dma_start3A_202 = arith.constant 0 : i32
      %dma_start3A_203 = tpu.memref_slice %arg4[%add3A_190, %dma_start3A_201, %dma_start3A_202] : memref<16384x50x128xf32, #tpu.memory_space<hbm>> -> memref<4x50x128xf32, #tpu.memory_space<hbm>>
      %dma_start3A_204 = arith.constant 0 : i32
      %dma_start3A_205 = arith.constant 0 : i32
      %dma_start3A_206 = arith.constant 0 : i32
      %dma_start3A_207 = tpu.memref_slice %arg6[%run_scoped3A_191, %dma_start3A_204, %dma_start3A_205, %dma_start3A_206] : memref<2x4x50x128xf32, #tpu.memory_space<vmem>> -> memref<1x4x50x128xf32, #tpu.memory_space<vmem>>
      %dma_start3A_208 = tpu.memref_squeeze %dma_start3A_207 : memref<1x4x50x128xf32, #tpu.memory_space<vmem>> -> memref<4x50x128xf32, #tpu.memory_space<vmem>>
      tpu.enqueue_dma source(%dma_start3A_208 : memref<4x50x128xf32, #tpu.memory_space<vmem>>) target(%dma_start3A_203 : memref<4x50x128xf32, #tpu.memory_space<hbm>>) target_semaphore(%run_scoped3A_192 : memref<!tpu.dma_semaphore, #tpu.memory_space<semaphore_mem>>)
      %dma_wait3A_209 = arith.constant 0 : i32
      %dma_wait3A_210 = arith.constant 0 : i32
      %dma_wait3A_211 = arith.constant 0 : i32
      %dma_wait3A_212 = tpu.memref_slice %arg6[%run_scoped3A_191, %dma_wait3A_209, %dma_wait3A_210, %dma_wait3A_211] : memref<2x4x50x128xf32, #tpu.memory_space<vmem>> -> memref<1x4x50x128xf32, #tpu.memory_space<vmem>>
      %dma_wait3A_213 = tpu.memref_squeeze %dma_wait3A_212 : memref<1x4x50x128xf32, #tpu.memory_space<vmem>> -> memref<4x50x128xf32, #tpu.memory_space<vmem>>
      %dma_wait3A_214 = arith.constant 0 : i32
      %dma_wait3A_215 = arith.constant 0 : i32
      %dma_wait3A_216 = tpu.memref_slice %arg4[%add3A_190, %dma_wait3A_214, %dma_wait3A_215] : memref<16384x50x128xf32, #tpu.memory_space<hbm>> -> memref<4x50x128xf32, #tpu.memory_space<hbm>>
      %dma_wait3A_217 = arith.constant 0 : i32
      %dma_wait3A_218 = arith.constant 0 : i32
      %dma_wait3A_219 = tpu.memref_slice %arg4[%add3A_190, %dma_wait3A_217, %dma_wait3A_218] : memref<16384x50x128xf32, #tpu.memory_space<hbm>> -> memref<4x50x128xf32, #tpu.memory_space<hbm>>
      %dma_wait3A_220 = arith.constant 0 : i32
      %dma_wait3A_221 = arith.constant 0 : i32
      %dma_wait3A_222 = arith.constant 0 : i32
      %dma_wait3A_223 = tpu.memref_slice %arg6[%run_scoped3A_191, %dma_wait3A_220, %dma_wait3A_221, %dma_wait3A_222] : memref<2x4x50x128xf32, #tpu.memory_space<vmem>> -> memref<1x4x50x128xf32, #tpu.memory_space<vmem>>
      %dma_wait3A_224 = tpu.memref_squeeze %dma_wait3A_223 : memref<1x4x50x128xf32, #tpu.memory_space<vmem>> -> memref<4x50x128xf32, #tpu.memory_space<vmem>>
      tpu.wait_dma2 semaphore(%run_scoped3A_192 : memref<!tpu.dma_semaphore, #tpu.memory_space<semaphore_mem>>) src(%dma_wait3A_224 : memref<4x50x128xf32, #tpu.memory_space<vmem>>) dst(%dma_wait3A_219 : memref<4x50x128xf32, #tpu.memory_space<hbm>>)
      tpu.yield
    }) : () -> ()
    return
  }
}

</mosaic_0001>

<sc_bundles>
// kernel: kernel.3.cloned.1.call-start
scs
__scs_entry_jumppad:
0x0: {  	(pc) =	sbr.rel $0x88, $3  }
0x1: {  	(tag) =	ssettag $0x0;
	lr =	simm.s32 $0x1  }
0x2: {  	[smem:$0x3F9F] =	sst lr;
	_ =	strace $0xD0000000  }
0x3: {  	_ = 	snop  }
0x4: {  	_ = 	snop  }
0x5: {  	_ = 	snop  }
0x6: {  	_ = 	snop  }
0x7: {  	_ = 	snop  }
__scs_overlays_trampoline_lowered:
0x8: {  	[smem:$0x3FAE] =	sst s0  }
0x9: {  	[smem:$0x3FAF] =	sst s1  }
0xa: {  	[smem:$0x3FB0] =	sst s2  }
0xb: {  	[smem:$0x3FB1] =	sst s3  }
0xc: {  	[smem:$0x3FB2] =	sst s4  }
0xd: {  	[smem:$0x3FB3] =	sst s5  }
0xe: {  	[smem:$0x3FB4] =	sst s6  }
0xf: {  	[smem:$0x3FB5] =	sst s7  }
0x10: {  	[smem:$0x3FB6] =	sst s8  }
0x11: {  	[smem:$0x3FB7] =	sst s9;
	s0 =	simm.s32 @!p0 $0x0  }
0x12: {  	s1 =	sld [smem:$0x3F9D];
	s0 =	simm.s32 @p0 $0x1  }
0x13: {  	[smem:$0x3FB8] =	sst s0;
	s0 =	simm.s32 @!p1 $0x0  }
0x14: {  	s2 =	sld [smem:$0x3F9C];
	s0 =	simm.s32 @p1 $0x1  }
0x15: {  	[smem:$0x3FB9] =	sst s0;
	s0 =	simm.s32 @!p2 $0x0  }
0x16: {  	s3 =	sld [smem:$0x3FDB];
	s0 =	simm.s32 @p2 $0x1  }
0x17: {  	s4 =	simm.s32 $0x1BF5;
	[smem:$0x3FBB] =	sst s0  }
0x18: {  	s0 =	sld [smem:$0x3F9E];
	_ =	swait.ge [sflag:s4], $0x0  }
0x19: {  	s7 =	sld [smem:$0x3F9F]  }
0x1a: {  	s8 =	sadd.s32 $0xFFFFE003, lr  }
0x1b: {  	s9 =	sadd.s32 $0xFFFFFEF7, lr;
	s5 =	simm.s32 $0xFFFFFFFF;
	p2 =	slt.u32 s8, $0xFFFFF086  }
0x1c: {  	p1 =	slt.u32 s9, $0xF7A;
	s5 =	simm.s32 @!p2 $0x0  }
0x1d: {  	s5 =	simm.s32 @p1 $0x1;
	p0 =	seq.s32 s7, s2  }
0x1e: {  	s7 =	smul.u32 @!p0 $0xF7A, s2;
	p2 =	seq.s32 @!p0 s5, $0x0  }
0x1f: {  	s9 =	smul.u32 $0xF7A, s1;
	s8 =	simm.s32 @!p0 $0x1BF5;
	p2 =	por !p2, p0  }
0x20: {  	[sflag:s8] =	ssyncset.s32 @!p0 $0xFFFFF086;
	s6 =	sadd.s32 @!p0 s3, s7;
	s7 =	simm.s32 @!p0 $0x108  }
0x21: {  	s3 =	sadd.s32 s3, s9;
	s6 =	sadd.s32 @!p0 $0x88, s6;
	s7 =	simm.s32 @p2 $0x1082  }
0x22: {  	[simem:s7], [sflag:s8] =	dma.local @!p0 [hbm:s6], $0xF7A  }
0x23: {  	s9 =	sor.u32 $0xD0000000, s2;
	s6 =	simm.s32 $0x108;
	_ =	swait.ge @!p0 [sflag:s8], $0x0  }
0x24: {  	s3 =	sadd.s32 $0x88, s3;
	s6 =	simm.s32 @!p1 $0x1082;
	[sflag:s4] =	ssyncset.s32 $0xFFFFF086  }
0x25: {  	[simem:s6], [sflag:s4] =	dma.local [hbm:s3], $0xF7A  }
0x26: {  	[smem:$0x3F9F] =	sst s1;
	(tag) =	ssettag s2;
	_ =	strace s9  }
0x27: {  	s1 =	sld [smem:$0x3FAF]  }
0x28: {  	s2 =	sld [smem:$0x3FB0]  }
0x29: {  	s4 =	sld [smem:$0x3FB2]  }
0x2a: {  	p0 =	seq.s32 s5, $0x0;
	s5 =	sld [smem:$0x3FB3]  }
0x2b: {  	s6 =	sld [smem:$0x3FB4]  }
0x2c: {  	s7 =	sld [smem:$0x3FB5]  }
0x2d: {  	s3 =	simm.s32 $0x108;
	s8 =	sld [smem:$0x3FB6]  }
0x2e: {  	s3 =	simm.s32 @!p0 $0x1082;
	s9 =	sld [smem:$0x3FB7]  }
0x2f: {  	lr =	sadd.s32 s0, s3;
	s0 =	sld [smem:$0x3FAE]  }
0x30: {  	s3 =	sld [smem:$0x3FB1]  }
0x31: {  	[smem:$0x3FBA] =	sst s10  }
0x32: {  	s10 =	sld [smem:$0x3FB8];
	_ =	sdelay $0x3  }
0x33: {  	p0 =	seq.s32 s10, $0x1;
	s10 =	sld [smem:$0x3FBA];
	_ =	sdelay $0x3  }
0x34: {  	[smem:$0x3FBA] =	sst s10  }
0x35: {  	s10 =	sld [smem:$0x3FB9];
	_ =	sdelay $0x3  }
0x36: {  	p1 =	seq.s32 s10, $0x1;
	s10 =	sld [smem:$0x3FBA];
	_ =	sdelay $0x3  }
0x37: {  	[smem:$0x3FBA] =	sst s10  }
0x38: {  	s10 =	sld [smem:$0x3FBB]  }
0x39: {  	_ = 	snop;
	(pc) =	sbr.ind lr, $3  }
0x3a: {  	_ = 	snop  }
0x3b: {  	_ = 	snop  }
0x3c: {  	p2 =	seq.s32 s10, $0x1;
	s10 =	sld [smem:$0x3FBA]  }
0x3d: {  	_ =	shalt  }
0x3e: {  	_ =	shalt  }
0x3f: {  	_ =	shalt  }
0x40: {  	_ =	shalt  }
0x41: {  	_ =	shalt  }
0x42: {  	_ =	shalt  }
0x43: {  	_ =	shalt  }
0x44: {  	_ =	shalt  }
0x45: {  	_ =	shalt  }
0x46: {  	_ =	shalt  }
0x47: {  	_ =	shalt  }
0x48: {  	_ =	shalt  }
0x49: {  	_ =	shalt  }
0x4a: {  	_ =	shalt  }
0x4b: {  	_ =	shalt  }
0x4c: {  	_ =	shalt  }
0x4d: {  	_ =	shalt  }
0x4e: {  	_ =	shalt  }
0x4f: {  	_ =	shalt  }
0x50: {  	_ =	shalt  }
0x51: {  	_ =	shalt  }
0x52: {  	_ =	shalt  }
0x53: {  	_ =	shalt  }
0x54: {  	_ =	shalt  }
0x55: {  	_ =	shalt  }
0x56: {  	_ =	shalt  }
0x57: {  	_ =	shalt  }
0x58: {  	_ =	shalt  }
0x59: {  	_ =	shalt  }
0x5a: {  	_ =	shalt  }
0x5b: {  	_ =	shalt  }
0x5c: {  	_ =	shalt  }
0x5d: {  	_ =	shalt  }
0x5e: {  	_ =	shalt  }
0x5f: {  	_ =	shalt  }
0x60: {  	_ =	shalt  }
0x61: {  	_ =	shalt  }
0x62: {  	_ =	shalt  }
0x63: {  	_ =	shalt  }
0x64: {  	_ =	shalt  }
0x65: {  	_ =	shalt  }
0x66: {  	_ =	shalt  }
0x67: {  	_ =	shalt  }
0x68: {  	_ =	shalt  }
0x69: {  	_ =	shalt  }
0x6a: {  	_ =	shalt  }
0x6b: {  	_ =	shalt  }
0x6c: {  	_ =	shalt  }
0x6d: {  	_ =	shalt  }
0x6e: {  	_ =	shalt  }
0x6f: {  	_ =	shalt  }
0x70: {  	_ =	shalt  }
0x71: {  	_ =	shalt  }
0x72: {  	_ =	shalt  }
0x73: {  	_ =	shalt  }
0x74: {  	_ =	shalt  }
0x75: {  	_ =	shalt  }
0x76: {  	_ =	shalt  }
0x77: {  	_ =	shalt  }
0x78: {  	_ =	shalt  }
0x79: {  	_ =	shalt  }
0x7a: {  	_ =	shalt  }
0x7b: {  	_ =	shalt  }
0x7c: {  	_ =	shalt  }
0x7d: {  	_ =	shalt  }
0x7e: {  	_ =	shalt  }
0x7f: {  	_ =	shalt  }
0x80: {  	_ =	shalt  }
0x81: {  	_ =	shalt  }
0x82: {  	_ =	shalt  }
0x83: {  	_ =	shalt  }
0x84: {  	_ =	shalt  }
0x85: {  	_ =	shalt  }
0x86: {  	_ =	shalt  }
0x87: {  	_ =	shalt  }
.Lfunc_end0:
.L_simem_size_0:
called_computation_lowered:
.L_overlay_start_0:
0x88: {  	s2 =	sld [smem:$0x3FD9]  }
0x89: {  	s3 =	sld [smem:$0x3FFE];
	_ =	sdelay $0x1  }
0x8a: {  	s1 =	srdreg.scid  }
0x8b: {  	s0 =	sand.u32 $0x1, s1  }
0x8c: {  	s17 =	sshll.u32 s0, $0xA;
	s2 =	sadd.s32 s3, s2  }
0x8d: {  	s2 =	sadd.s32 s2, s17  }
0x8e: {  	[smem:$0x3FC6] =	sst s2  }
0x8f: {  	_ = 	snop  }
0x90: {  	s2 =	sld [smem:$0x3FC8]  }
0x91: {  	s18 =	sld [smem:$0x3FD0];
	(tm) =	ssettm $0x1  }
0x92: {  	s4 =	sld [smem:$0x3FFB];
	_ =	sdelay $0x3  }
0x93: {  	_ =	strace s4  }
0x94: {  	s4 =	sld [smem:$0x3FFC];
	_ =	sdelay $0x3  }
0x95: {  	_ =	strace s4  }
0x96: {  	s4 =	sld [smem:$0x3FFD];
	_ =	sdelay $0x3  }
0x97: {  	_ =	strace s4  }
0x98: {  	_ =	strace $0x8FFFFFFF  }
0x99: {  	s19 =	sld [smem:$0x3FDB];
	_ =	sdelay $0x1  }
0x9a: {  	s5 =	simm.s32 $_scs_section_size  }
0x9b: {  	s6 =	simm.s32 $_size__tile_overlayer_lowered;
	s7 =	simm.s32 $_tile_overlayer_lowered  }
0x9c: {  	s22 =	simm.s32 $0x1BFF;
	s21 =	sshll.u32 s7, $0x1;
	s4 =	sadd.s32 s5, s19  }
0x9d: {  	s8 =	simm.s32 $0x0;
	s20 =	sshll.u32 s6, $0x1;
	s6 =	sadd.s32 s21, s4  }
0x9e: {  	[timem:s8], [sflag:s22] =	dma.local [hbm:s6], s20  }
0x9f: {  	_ =	swait.ge [sflag:s22], s20  }
0xa0: {  	s5 =	ssub.s32 $0x0, s20;
	[sflag:s22] =	ssyncset.done $0x0  }
0xa1: {  	[sflag:s22] =	ssyncadd.s32 s5;
	_ =	sdelay $0x1  }
0xa2: {  	s23 =	simm.s32 $0x1B8B  }
0xa3: {  	_ =	swait.ge [sflag:s23], $0x1  }
0xa4: {  	[sflag:s23] =	ssyncset.done $0x0  }
0xa5: {  	s25 =	simm.s32 $0x1B8E;
	s24 =	sld [smem:$0x3FFE];
	[sflag:s23] =	ssyncadd.s32 $0xFFFFFFFF  }
0xa6: {  	s26 =	simm.s32 $execute0_lowered;
	[smem:$0x3FD2] =	sst s25  }
0xa7: {  	s6 =	sshll.u32 s26, $0x1;
	_ =	strace $0x80000046;
	[dreg:$0x1] =	wrdreg $0xFFFFFFFF  }
0xa8: {  	s28 =	simm.s32 $_size_execute0_lowered;
	s4 =	sadd.s32 s4, s6;
	[dreg:$0x0] =	wrdreg $0x0  }
0xa9: {  	s6 =	sshll.u32 s28, $0x1;
	[dreg:$0x2] =	wrdreg s4  }
0xaa: {  	[dreg:$0x3] =	wrdreg s6  }
0xab: {  	[dreg:$0x4] =	wrdreg $0xC0  }
0xac: {  	_ =	task [dreg:s8], $0x5FFFF  }
0xad: {  	[dreg:$0x1] =	wrdreg $0xFFFFFFFF  }
0xae: {  	[dreg:$0x0] =	wrdreg $0x60  }
0xaf: {  	[dreg:$0x2] =	wrdreg s18  }
0xb0: {  	[dreg:$0x3] =	wrdreg s2  }
0xb1: {  	[dreg:$0x4] =	wrdreg s24  }
0xb2: {  	[dreg:$0x5] =	wrdreg $0x9  }
0xb3: {  	_ =	task.clear_ibuf [dreg:s8], $0x6FFFF;
	_ =	strace $0x90000046  }
0xb4: {  	s29 =	simm.s32 $0x9;
	_ =	strace $0x80000048  }
0xb5: {  	_ =	swait.ge [sflag:s29], $0x1  }
0xb6: {  	[sflag:s29] =	ssyncadd.s32 $0xFFFFFFFF  }
0xb7: {  	_ =	strace $0x90000048  }
0xb8: {  	_ =	sfence  }
0xb9: {  	s30 =	sld [smem:$0x0];
	_ =	sdelay $0x2  }
0xba: {  	s31 =	sshll.u32 s1, $0xD;
	s1 =	sshrl.u32 s1, $0x2  }
0xbb: {  	s3 =	sand.u32 $0x4000, s31;
	s1 =	sadd.s32 s1, s30  }
0xbc: {  	s0 =	sor.u32 s3, s0;
	s1 =	sshll.u32 s1, $0x11  }
0xbd: {  	s0 =	sor.u32 s1, s0  }
0xbe: {  	s0 =	sadd.s32 $0x8F2B, s0  }
0xbf: {  	[sflag:s0] =	ssyncadd.remote.s32 $0x1  }
0xc0: {  	_ =	sfence.sel $0xFFFF  }
0xc1: {  	[dreg:$0x0] =	wrdreg $0xFFFFFFFF;
	(pc) =	sbr.abs _section_cstart, $3  }
0xc2: {  	[dreg:$0x1] =	wrdreg $0xFFFFFFFF  }
0xc3: {  	_ =	task.clear_ibuf [dreg:s8], $0x2FFFF;
	_ =	strace $0x9FFFFFFF  }
0xc4: {  	(tm) =	ssettm $0x7FFFFFFF  }
0xc5: {  	_ =	shalt  }
tec
execute0_lowered:
.L_overlay_start_1:
0x0: {  	(tag) =	ssettag $0x1  }
0x1: {  	s1 =	rddreg [dreg:$0x0]  }
0x2: {  	s3 =	srdreg.scid;
	s2 =	rddreg [dreg:$0x1]  }
0x3: {  	s0 =	stileid.u32;
	s4 =	rddreg [dreg:$0x2];
	s11 =	simm.s32 $0x10000  }
0x4: {  	s12 =	simm.s32 $0x80;
	s13 =	simm.s32 $0x11C00;
	s14 =	simm.s32 $0x100  }
0x5: {  	s15 =	simm.s32 $0x13800;
	s16 =	simm.s32 $0x180;
	s17 =	simm.s32 $0x15400  }
0x6: {  	s18 =	simm.s32 $0x200;
	s19 =	simm.s32 $0x17000;
	s20 =	simm.s32 $0x280  }
0x7: {  	s21 =	simm.s32 $0x18C00;
	s22 =	simm.s32 $0x300;
	s23 =	simm.s32 $0x1A800  }
0x8: {  	s28 =	simm.s32 $0x2;
	s29 =	simm.s32 $0x0;
	s6 =	sand.u32 $0x1, s3  }
0x9: {  	s5 =	sshll.u32 s0, $0xA;
	s3 =	simm.s32 $0x0;
	s10 =	sadd.s32 $0x400, s4  }
0xa: {  	s26 =	smul.u32 $0xE0000, s0;
	s7 =	sshll.u32 s6, $0x9;
	[smem:$0x7FF] =	sst s3  }
0xb: {  	s24 =	ssub.s32 $0x2, s6;
	s30 =	smul.u32 $0x70000, s6;
	s5 =	sor.u32 s7, s5  }
0xc: {  	_ =	strace $0x80000047;
	s9 =	sshrl.u32 s24, $0x1;
	s31 =	sadd.s32 s26, s10  }
0xd: {  	s26 =	simm.s32 $0x1;
	s8 =	smul.u32 $0x1C00, s5;
	s7 =	ssub.s32 s24, s9  }
0xe: {  	s5 =	sshll.u32 s5, $0x4;
	s9 =	simm.s32 $0x3;
	s24 =	simm.s32 $0x380  }
0xf: {  	s4 =	sadd.s32 s1, s5;
	s7 =	smax.u32 s7, $0x1;
	s25 =	sshrl.u32 s8, $0x3  }
0x10: {  	s8 =	sadd.s32 s10, s25;
	s10 =	simm.s32 $0x32;
	s25 =	simm.s32 $0x1C400  }
0x11: {  	s5 =	sadd.s32 $0x6E400, s8;
	s6 =	sadd.s32 $0x6F200, s8;
	s8 =	sadd.s32 s30, s31  }
.LBB2_1:
0x12: {  	[tilespmem:s3], [sflag:$0x3] =	stream.linear.gather [hbm4b:s4+s3], $0x10000, $0x38;
	[tilespmem:$0x1E000] =	vst v63  }
0x13: {  	_ =	swait.ge [sflag:s9], $0x10000  }
0x14: {  	[sflag:s9] =	ssyncset.done $0x0  }
0x15: {  	[sflag:s9] =	ssyncadd.s32 $0xFFFF0000  }
0x16: {  	[tilespmem:s11], [sflag:$0x1] =	stream.indirect.gather [hbm4b:s2+s10], $0x80, s3, s10, $0xb8;
	[tilespmem:$0x1E000] =	vst v63  }
0x17: {  	_ = 	snop  }
0x18: {  	[tilespmem:s13], [sflag:$0x1] =	stream.indirect.gather [hbm4b:s2+s10], $0x80, s12, s10, $0xb8;
	[tilespmem:$0x1E000] =	vst v63  }
0x19: {  	_ = 	snop  }
0x1a: {  	[tilespmem:s15], [sflag:$0x1] =	stream.indirect.gather [hbm4b:s2+s10], $0x80, s14, s10, $0xb8;
	[tilespmem:$0x1E000] =	vst v63  }
0x1b: {  	_ = 	snop  }
0x1c: {  	[tilespmem:s17], [sflag:$0x1] =	stream.indirect.gather [hbm4b:s2+s10], $0x80, s16, s10, $0xb8;
	[tilespmem:$0x1E000] =	vst v63  }
0x1d: {  	_ = 	snop  }
0x1e: {  	[tilespmem:s19], [sflag:$0x2] =	stream.indirect.gather [hbm4b:s2+s10], $0x80, s18, s10, $0xb8;
	[tilespmem:$0x1E000] =	vst v63  }
0x1f: {  	_ = 	snop  }
0x20: {  	[tilespmem:s21], [sflag:$0x2] =	stream.indirect.gather [hbm4b:s2+s10], $0x80, s20, s10, $0xb8;
	[tilespmem:$0x1E000] =	vst v63  }
0x21: {  	_ = 	snop  }
0x22: {  	[tilespmem:s23], [sflag:$0x2] =	stream.indirect.gather [hbm4b:s2+s10], $0x80, s22, s10, $0xb8;
	[tilespmem:$0x1E000] =	vst v63  }
0x23: {  	_ = 	snop  }
0x24: {  	[tilespmem:s25], [sflag:$0x2] =	stream.indirect.gather [hbm4b:s2+s10], $0x80, s24, s10, $0xb8;
	[tilespmem:$0x1E000] =	vst v63  }
0x25: {  	_ =	swait.ge [sflag:s26], $0x6400  }
0x26: {  	[sflag:s26] =	ssyncset.done $0x0  }
0x27: {  	[sflag:s26] =	ssyncadd.s32 $0xFFFF9C00  }
0x28: {  	[hbm4b:s8+s3] =	stream.linear.scatter [tilespmem:s11], [sflag:$0x3], $0x1900, $0x38;
	[tilespmem:$0x1E000] =	vst v63  }
0x29: {  	s1 =	sadd.s32 $0x380, s8  }
0x2a: {  	[hbm4b:s1+s3] =	stream.linear.scatter [tilespmem:s13], [sflag:$0x3], $0x1900, $0x38;
	[tilespmem:$0x1E000] =	vst v63  }
0x2b: {  	s0 =	sadd.s32 $0x700, s8  }
0x2c: {  	[hbm4b:s0+s3] =	stream.linear.scatter [tilespmem:s15], [sflag:$0x3], $0x1900, $0x38;
	[tilespmem:$0x1E000] =	vst v63  }
0x2d: {  	s0 =	sadd.s32 $0xA80, s8  }
0x2e: {  	[hbm4b:s0+s3] =	stream.linear.scatter [tilespmem:s17], [sflag:$0x3], $0x1900, $0x38;
	[tilespmem:$0x1E000] =	vst v63  }
0x2f: {  	_ =	swait.ge [sflag:s9], $0x6400  }
0x30: {  	[sflag:s9] =	ssyncset.done $0x0  }
0x31: {  	s0 =	simm.s32 $0x400;
	[sflag:s9] =	ssyncadd.s32 $0xFFFF9C00  }
0x32: {  	[tilespmem:s11], [sflag:$0x1] =	stream.indirect.gather [hbm4b:s2+s10], $0x80, s0, s10, $0xb8;
	[tilespmem:$0x1E000] =	vst v63  }
0x33: {  	s0 =	simm.s32 $0x480  }
0x34: {  	[tilespmem:s13], [sflag:$0x1] =	stream.indirect.gather [hbm4b:s2+s10], $0x80, s0, s10, $0xb8;
	[tilespmem:$0x1E000] =	vst v63  }
0x35: {  	s0 =	simm.s32 $0x500  }
0x36: {  	[tilespmem:s15], [sflag:$0x1] =	stream.indirect.gather [hbm4b:s2+s10], $0x80, s0, s10, $0xb8;
	[tilespmem:$0x1E000] =	vst v63  }
0x37: {  	s0 =	simm.s32 $0x580  }
0x38: {  	[tilespmem:s17], [sflag:$0x1] =	stream.indirect.gather [hbm4b:s2+s10], $0x80, s0, s10, $0xb8;
	[tilespmem:$0x1E000] =	vst v63  }
0x39: {  	_ =	swait.ge [sflag:s28], $0x6400  }
0x3a: {  	[sflag:s28] =	ssyncset.done $0x0  }
0x3b: {  	s0 =	sadd.s32 $0xE00, s8;
	[sflag:s28] =	ssyncadd.s32 $0xFFFF9C00  }
0x3c: {  	[hbm4b:s0+s3] =	stream.linear.scatter [tilespmem:s19], [sflag:$0x3], $0x1900, $0x38;
	[tilespmem:$0x1E000] =	vst v63  }
0x3d: {  	s0 =	sadd.s32 $0x1180, s8  }
0x3e: {  	[hbm4b:s0+s3] =	stream.linear.scatter [tilespmem:s21], [sflag:$0x3], $0x1900, $0x38;
	[tilespmem:$0x1E000] =	vst v63  }
0x3f: {  	s0 =	sadd.s32 $0x1500, s8  }
0x40: {  	[hbm4b:s0+s3] =	stream.linear.scatter [tilespmem:s23], [sflag:$0x3], $0x1900, $0x38;
	[tilespmem:$0x1E000] =	vst v63  }
0x41: {  	s0 =	sadd.s32 $0x1880, s8  }
0x42: {  	[hbm4b:s0+s3] =	stream.linear.scatter [tilespmem:s25], [sflag:$0x3], $0x1900, $0x38;
	[tilespmem:$0x1E000] =	vst v63  }
0x43: {  	_ =	swait.ge [sflag:s9], $0x6400  }
0x44: {  	[sflag:s9] =	ssyncset.done $0x0  }
0x45: {  	s0 =	simm.s32 $0x600;
	[sflag:s9] =	ssyncadd.s32 $0xFFFF9C00  }
0x46: {  	[tilespmem:s19], [sflag:$0x2] =	stream.indirect.gather [hbm4b:s2+s10], $0x80, s0, s10, $0xb8;
	[tilespmem:$0x1E000] =	vst v63  }
0x47: {  	s30 =	simm.s32 $0x1000;
	s0 =	simm.s32 $0x680  }
0x48: {  	[tilespmem:s21], [sflag:$0x2] =	stream.indirect.gather [hbm4b:s2+s10], $0x80, s0, s10, $0xb8;
	[tilespmem:$0x1E000] =	vst v63  }
0x49: {  	s31 =	sadd.s32 $0x1C00, s8;
	s1 =	simm.s32 $0x780;
	s0 =	simm.s32 $0x700  }
0x4a: {  	[tilespmem:s23], [sflag:$0x2] =	stream.indirect.gather [hbm4b:s2+s10], $0x80, s0, s10, $0xb8;
	[tilespmem:$0x1E000] =	vst v63  }
.LBB2_2:
0x4b: {  	[tilespmem:s25], [sflag:$0x2] =	stream.indirect.gather [hbm4b:s2+s10], $0x80, s1, s10, $0xb8;
	[tilespmem:$0x1E000] =	vst v63  }
0x4c: {  	s1 =	smov.u32 s30  }
0x4d: {  	p0 =	sne.s32 s30, $0x3E000;
	s30 =	sadd.s32 $0x1000, s30;
	_ =	swait.ge [sflag:s26], $0x6400  }
0x4e: {  	[sflag:s26] =	ssyncset.done $0x0  }
0x4f: {  	[sflag:s26] =	ssyncadd.s32 $0xFFFF9C00  }
0x50: {  	[hbm4b:s31+s3] =	stream.linear.scatter [tilespmem:s11], [sflag:$0x3], $0x1900, $0x38;
	[tilespmem:$0x1E000] =	vst v63  }
0x51: {  	s0 =	sadd.s32 $0x380, s31  }
0x52: {  	[hbm4b:s0+s3] =	stream.linear.scatter [tilespmem:s13], [sflag:$0x3], $0x1900, $0x38;
	[tilespmem:$0x1E000] =	vst v63  }
0x53: {  	s0 =	sadd.s32 $0x700, s31  }
0x54: {  	[hbm4b:s0+s3] =	stream.linear.scatter [tilespmem:s15], [sflag:$0x3], $0x1900, $0x38;
	[tilespmem:$0x1E000] =	vst v63  }
0x55: {  	s0 =	sadd.s32 $0xA80, s31  }
0x56: {  	[hbm4b:s0+s3] =	stream.linear.scatter [tilespmem:s17], [sflag:$0x3], $0x1900, $0x38;
	[tilespmem:$0x1E000] =	vst v63  }
0x57: {  	_ =	swait.ge [sflag:s9], $0x6400  }
0x58: {  	s0 =	sshra.s32 s1, $0x2;
	[sflag:s9] =	ssyncset.done $0x0  }
0x59: {  	s1 =	sadd.s32 $0x400, s0;
	[sflag:s9] =	ssyncadd.s32 $0xFFFF9C00  }
0x5a: {  	[tilespmem:s11], [sflag:$0x1] =	stream.indirect.gather [hbm4b:s2+s10], $0x80, s1, s10, $0xb8;
	[tilespmem:$0x1E000] =	vst v63  }
0x5b: {  	s1 =	sadd.s32 $0x480, s0  }
0x5c: {  	[tilespmem:s13], [sflag:$0x1] =	stream.indirect.gather [hbm4b:s2+s10], $0x80, s1, s10, $0xb8;
	[tilespmem:$0x1E000] =	vst v63  }
0x5d: {  	s1 =	sadd.s32 $0x500, s0  }
0x5e: {  	[tilespmem:s15], [sflag:$0x1] =	stream.indirect.gather [hbm4b:s2+s10], $0x80, s1, s10, $0xb8;
	[tilespmem:$0x1E000] =	vst v63  }
0x5f: {  	s1 =	sadd.s32 $0x580, s0  }
0x60: {  	[tilespmem:s17], [sflag:$0x1] =	stream.indirect.gather [hbm4b:s2+s10], $0x80, s1, s10, $0xb8;
	[tilespmem:$0x1E000] =	vst v63  }
0x61: {  	_ =	swait.ge [sflag:s28], $0x6400  }
0x62: {  	[sflag:s28] =	ssyncset.done $0x0  }
0x63: {  	s1 =	sadd.s32 $0xE00, s31;
	[sflag:s28] =	ssyncadd.s32 $0xFFFF9C00  }
0x64: {  	[hbm4b:s1+s3] =	stream.linear.scatter [tilespmem:s19], [sflag:$0x3], $0x1900, $0x38;
	[tilespmem:$0x1E000] =	vst v63  }
0x65: {  	s1 =	sadd.s32 $0x1180, s31  }
0x66: {  	[hbm4b:s1+s3] =	stream.linear.scatter [tilespmem:s21], [sflag:$0x3], $0x1900, $0x38;
	[tilespmem:$0x1E000] =	vst v63  }
0x67: {  	s1 =	sadd.s32 $0x1500, s31  }
0x68: {  	[hbm4b:s1+s3] =	stream.linear.scatter [tilespmem:s23], [sflag:$0x3], $0x1900, $0x38;
	[tilespmem:$0x1E000] =	vst v63  }
0x69: {  	s1 =	sadd.s32 $0x1880, s31  }
0x6a: {  	[hbm4b:s1+s3] =	stream.linear.scatter [tilespmem:s25], [sflag:$0x3], $0x1900, $0x38;
	[tilespmem:$0x1E000] =	vst v63  }
0x6b: {  	_ =	swait.ge [sflag:s9], $0x6400  }
0x6c: {  	[sflag:s9] =	ssyncset.done $0x0  }
0x6d: {  	s1 =	sadd.s32 $0x600, s0;
	[sflag:s9] =	ssyncadd.s32 $0xFFFF9C00  }
0x6e: {  	[tilespmem:s19], [sflag:$0x2] =	stream.indirect.gather [hbm4b:s2+s10], $0x80, s1, s10, $0xb8;
	[tilespmem:$0x1E000] =	vst v63  }
.Ltmp0:
0x6f: {  	s1 =	sadd.s32 $0x680, s0;
	(pc) =	sbr.rel @p0 .LBB2_2-.Ltmp0, $4  }
0x70: {  	[tilespmem:s21], [sflag:$0x2] =	stream.indirect.gather [hbm4b:s2+s10], $0x80, s1, s10, $0xb8;
	[tilespmem:$0x1E000] =	vst v63  }
0x71: {  	s1 =	sadd.s32 $0x700, s0  }
0x72: {  	[tilespmem:s23], [sflag:$0x2] =	stream.indirect.gather [hbm4b:s2+s10], $0x80, s1, s10, $0xb8;
	[tilespmem:$0x1E000] =	vst v63  }
0x73: {  	s31 =	sadd.s32 $0x1C00, s31;
	s1 =	sadd.s32 $0x780, s0  }
0x74: {  	[tilespmem:s25], [sflag:$0x2] =	stream.indirect.gather [hbm4b:s2+s10], $0x80, s1, s10, $0xb8;
	[tilespmem:$0x1E000] =	vst v63  }
0x75: {  	_ =	swait.ge [sflag:s26], $0x6400  }
0x76: {  	[sflag:s26] =	ssyncset.done $0x0  }
0x77: {  	[sflag:s26] =	ssyncadd.s32 $0xFFFF9C00  }
0x78: {  	[hbm4b:s5+s3] =	stream.linear.scatter [tilespmem:s11], [sflag:$0x3], $0x1900, $0x38;
	[tilespmem:$0x1E000] =	vst v63  }
0x79: {  	s0 =	sadd.s32 $0x380, s5  }
0x7a: {  	[hbm4b:s0+s3] =	stream.linear.scatter [tilespmem:s13], [sflag:$0x3], $0x1900, $0x38;
	[tilespmem:$0x1E000] =	vst v63  }
0x7b: {  	s30 =	sadd.s32 $0x700, s5  }
0x7c: {  	[hbm4b:s30+s3] =	stream.linear.scatter [tilespmem:s15], [sflag:$0x3], $0x1900, $0x38;
	[tilespmem:$0x1E000] =	vst v63  }
0x7d: {  	s31 =	sadd.s32 $0xA80, s5  }
0x7e: {  	[hbm4b:s31+s3] =	stream.linear.scatter [tilespmem:s17], [sflag:$0x3], $0x1900, $0x38;
	[tilespmem:$0x1E000] =	vst v63  }
0x7f: {  	_ =	swait.ge [sflag:s9], $0x6400  }
0x80: {  	[sflag:s9] =	ssyncset.done $0x0  }
0x81: {  	[sflag:s9] =	ssyncadd.s32 $0xFFFF9C00  }
0x82: {  	_ =	swait.ge [sflag:s28], $0x6400  }
0x83: {  	[sflag:s28] =	ssyncset.done $0x0  }
0x84: {  	[sflag:s28] =	ssyncadd.s32 $0xFFFF9C00  }
0x85: {  	[hbm4b:s6+s3] =	stream.linear.scatter [tilespmem:s19], [sflag:$0x3], $0x1900, $0x38;
	[tilespmem:$0x1E000] =	vst v63  }
0x86: {  	s1 =	sadd.s32 $0x380, s6;
	s29 =	sadd.s32 $0x1, s29  }
0x87: {  	[hbm4b:s1+s3] =	stream.linear.scatter [tilespmem:s21], [sflag:$0x3], $0x1900, $0x38;
	[tilespmem:$0x1E000] =	vst v63  }
0x88: {  	p0 =	sne.s32 s29, s7;
	s30 =	sadd.s32 $0x700, s6  }
0x89: {  	[hbm4b:s30+s3] =	stream.linear.scatter [tilespmem:s23], [sflag:$0x3], $0x1900, $0x38;
	[tilespmem:$0x1E000] =	vst v63  }
.Ltmp1:
0x8a: {  	s31 =	sadd.s32 $0xA80, s6;
	(pc) =	sbr.rel @p0 .LBB2_1-.Ltmp1, $4  }
0x8b: {  	[hbm4b:s31+s3] =	stream.linear.scatter [tilespmem:s25], [sflag:$0x3], $0x1900, $0x38;
	[tilespmem:$0x1E000] =	vst v63  }
0x8c: {  	_ =	swait.ge [sflag:s9], $0x6400  }
0x8d: {  	[sflag:s9] =	ssyncset.done $0x0  }
0x8e: {  	[sflag:s9] =	ssyncadd.s32 $0xFFFF9C00  }
0x8f: {  	_ =	sfence.sel $0x180000  }
0x90: {  	[bflag:$0x0] =	sbarrier.arrive $0xFFFF  }
0x91: {  	_ =	strace $0x90000047  }
0x92: {  	s0 =	stileid.u32;
	[bflag:$0x2] =	sbarrier.arrive $0xFFFF  }
0x93: {  	p0 =	sne.s32 s0, $0x0;
	s0 =	rddreg [dreg:$0x3]  }
0x94: {  	s0 =	sadd.s32 @!p0 $0x100000, s0  }
0x95: {  	[sflag:s0] =	ssyncadd.tile.s32 @!p0 $0x1;
	_ =	shalt  }
.Lfunc_end2:
_tile_overlayer_lowered:
.L_overlay_start_2:
0x96: {  	(tag) =	ssettag $0x2  }
0x97: {  	s0 =	rddreg [dreg:$0x0];
	s2 =	stileid.u32  }
0x98: {  	s1 =	rddreg [dreg:$0x1];
	p0 =	sne.s32 s2, $0x0  }
0x99: {  	s3 =	rddreg [dreg:$0x2];
	[bflag:$0x3] =	sbarrier.arrive $0xFFFF;
	s2 =	simm.s32 @!p0 $0x1C03  }
0x9a: {  	[timem:s3], [sflag:s2] =	dma.local @!p0 [hbm:s0], s1  }
0x9b: {  	s0 =	simm.s32 @!p0 $0x3  }
0x9c: {  	_ =	swait.ge @!p0 [sflag:s0], s1  }
0x9d: {  	s1 =	ssub.s32 @!p0 $0x0, s1;
	[sflag:s0] =	ssyncset.done @!p0 $0x0  }
0x9e: {  	[sflag:s0] =	ssyncadd.s32 @!p0 s1  }
0x9f: {  	[bflag:$0x3] =	sbarrier.arrive $0xFFFF  }
0xa0: {  	_ =	shalt  }

</sc_bundles>
